<compile_context>
chip_gen: v7x
topology: tpu7x:2x2x1
jax: 0.10.2.dev20260603
libtpu: 0.0.44.dev20260713+nightly
codegen_flags: <defaults>
</compile_context>

<pallas_src>
import jax
import jax.numpy as jnp
from jax import lax
from jax.experimental import pallas as pl
from jax.experimental.pallas import tpu as pltpu
from jax.experimental.pallas import tpu_sc as plsc

_NC, _NS, _L = 2, 16, 16

_SC_LEVELS = (
    (64, 64, 8.0, 0, 2),
    (32, 32, 16.0, 2, 4),
    (16, 16, 32.0, 6, 8),
)


def _scal_split(pos, limit):
    hi = limit - 1
    pos = jnp.clip(pos, 0.0, hi * 1.0)
    i0 = pos.astype(jnp.int32)
    frac = pos - i0.astype(jnp.float32)
    i1 = jnp.minimum(i0 + 1, hi)
    return i0, i1, frac


def _sc_body(f2, f3, f4, bbh, o2, o3, o4, bbv, va, vb, vc, vd, outv,
             s0, s1, s2, s3):
    wid = lax.axis_index("c") * _NS + lax.axis_index("s")
    pltpu.sync_copy(bbh.at[0], bbv.at[pl.ds(0, 4)])
    bb = bbv[...]
    bx1 = bb[0]
    by1 = bb[1]
    bx2 = bb[2]
    by2 = bb[3]
    sems = (s0, s1, s2, s3)

    def sel(vals):
        v2, v3, v4 = vals
        return jnp.where(wid < 2, v2, jnp.where(wid < 6, v3, v4))

    H = sel([l[0] for l in _SC_LEVELS])
    W = sel([l[1] for l in _SC_LEVELS])
    inv = sel([1.0 / l[2] for l in _SC_LEVELS])
    t_lo = sel([l[3] for l in _SC_LEVELS])
    y0, y1i, ly = _scal_split((by1 + by2) * 0.5 * inv, H)
    x0, x1i, lx = _scal_split((bx1 + bx2) * 0.5 * inv, W)
    ch = pl.multiple_of((wid - t_lo) * 256, 256)

    for lvl, feat in enumerate((f2, f3, f4)):
        _, _, _, lo, n_t = _SC_LEVELS[lvl]

        @pl.when((wid >= lo) & (wid < lo + n_t))
        def _(feat=feat):
            srcs = (feat.at[0, y0, x0, pl.ds(ch, 256)],
                    feat.at[0, y0, x1i, pl.ds(ch, 256)],
                    feat.at[0, y1i, x0, pl.ds(ch, 256)],
                    feat.at[0, y1i, x1i, pl.ds(ch, 256)])
            for s_, d_, sem in zip(srcs, (va, vb, vc, vd), sems):
                pltpu.async_copy(s_, d_, sem)

    @pl.when(wid < 14)
    def _():
        for sem, d_ in zip(sems, (va, vb, vc, vd)):
            pltpu.make_async_copy(f2.at[0, 0, 0, pl.ds(0, 256)], d_,
                                  sem).wait()
        lxv = jnp.full((_L,), lx, jnp.float32)
        lyv = jnp.full((_L,), ly, jnp.float32)

        @pl.loop(0, 256, step=_L)
        def _(k):
            sl = pl.ds(k, _L)
            top = va[sl] * (1.0 - lxv) + vb[sl] * lxv
            bot = vc[sl] * (1.0 - lxv) + vd[sl] * lxv
            outv[sl] = top * (1.0 - lyv) + bot * lyv

    for lvl, out in enumerate((o2, o3, o4)):
        _, _, _, lo, n_t = _SC_LEVELS[lvl]

        @pl.when((wid >= lo) & (wid < lo + n_t))
        def _(out=out):
            pltpu.sync_copy(outv, out.at[pl.ds(ch, 256)])


_SLAB = 16


def _wplane(x0, x1i, lx, y0, y1i, ly, yb8, width):
    xl = lax.broadcasted_iota(jnp.int32, (_SLAB, width), 1)
    yl = lax.broadcasted_iota(jnp.int32, (_SLAB, width), 0) + yb8
    wx = jnp.where(xl == x0, 1.0 - lx, 0.0) + jnp.where(xl == x1i, lx, 0.0)
    wy = (jnp.where(yl == y0, 1.0 - ly, 0.0)
          + jnp.where(yl == y1i, ly, 0.0))
    return wx * wy


def _slab_base(y0, limit):
    return jnp.minimum((y0 // 8) * 8, limit - _SLAB)


def _tc_body(bb_ref, f1_ref, fd_ref, o1_ref, od_ref,
             slab1, slabd0, slabd1, sm1, smd0, smd1):
    bx1 = bb_ref[0, 0]
    by1 = bb_ref[0, 1]
    bx2 = bb_ref[0, 2]
    by2 = bb_ref[0, 3]

    y0, y1i, ly = _scal_split((by1 + by2) * 0.5 * 0.25, 128)
    x0, x1i, lx = _scal_split((bx1 + bx2) * 0.5 * 0.25, 128)
    yb = _slab_base(y0, 128)
    cp1 = pltpu.make_async_copy(
        f1_ref.at[0, :, pl.ds(yb, _SLAB), :], slab1, sm1)
    cp1.start()

    dy, dxs = [], []
    for i in range(2):
        yi0, yi1, lyi = _scal_split((by1 + (by2 - by1) * float(i)) * 0.5, 256)
        dy.append((yi0, yi1, lyi, _slab_base(yi0, 256)))
    for j in range(2):
        xj0, xj1, lxj = _scal_split((bx1 + (bx2 - bx1) * float(j)) * 0.5, 256)
        dxs.append((xj0, xj1, lxj))
    cpd0 = pltpu.make_async_copy(
        fd_ref.at[0, :, pl.ds(dy[0][3], _SLAB), :], slabd0, smd0)
    cpd0.start()
    cpd1 = pltpu.make_async_copy(
        fd_ref.at[0, :, pl.ds(dy[1][3], _SLAB), :], slabd1, smd1)
    cpd1.start()

    cp1.wait()
    w1 = _wplane(x0, x1i, lx, y0, y1i, ly, yb, 128)
    o1_ref[...] = jnp.sum(slab1[...] * w1[None, :, :], axis=(1, 2))

    cpd0.wait()
    cpd1.wait()
    for i, slab in ((0, slabd0), (1, slabd1)):
        yi0, yi1, lyi, ybi = dy[i]
        for j in range(2):
            xj0, xj1, lxj = dxs[j]
            wij = _wplane(xj0, xj1, lxj, yi0, yi1, lyi, ybi, 256)
            od_ref[i, j] = jnp.sum(slab[...] * wij[None, :, :], axis=(1, 2))


def kernel(x_block1, x_block2, x_block3, x_block4, x_decoder, bbox):
    f2t = jnp.transpose(x_block2, (0, 2, 3, 1))
    f3t = jnp.transpose(x_block3, (0, 2, 3, 1))
    f4t = jnp.transpose(x_block4, (0, 2, 3, 1))

    f32 = jnp.float32
    sc_run = pl.kernel(
        _sc_body,
        out_type=(
            jax.ShapeDtypeStruct((512,), f32),
            jax.ShapeDtypeStruct((1024,), f32),
            jax.ShapeDtypeStruct((2048,), f32),
        ),
        mesh=plsc.VectorSubcoreMesh(
            core_axis_name="c", subcore_axis_name="s",
            num_cores=1, num_subcores=_NS),
        scratch_types=[
            pltpu.VMEM((_L,), f32),
            pltpu.VMEM((256,), f32), pltpu.VMEM((256,), f32),
            pltpu.VMEM((256,), f32), pltpu.VMEM((256,), f32),
            pltpu.VMEM((256,), f32),
            pltpu.SemaphoreType.DMA, pltpu.SemaphoreType.DMA,
            pltpu.SemaphoreType.DMA, pltpu.SemaphoreType.DMA,
        ],
    )
    o2, o3, o4 = sc_run(f2t, f3t, f4t, bbox)

    tc_run = pl.pallas_call(
        _tc_body,
        out_shape=(
            jax.ShapeDtypeStruct((256,), f32),
            jax.ShapeDtypeStruct((2, 2, 64), f32),
        ),
        in_specs=[
            pl.BlockSpec(memory_space=pltpu.SMEM),
            pl.BlockSpec(memory_space=pltpu.MemorySpace.HBM),
            pl.BlockSpec(memory_space=pltpu.MemorySpace.HBM),
        ],
        out_specs=(
            pl.BlockSpec(memory_space=pltpu.VMEM),
            pl.BlockSpec(memory_space=pltpu.VMEM),
        ),
        scratch_shapes=[
            pltpu.VMEM((256, 16, 128), f32),
            pltpu.VMEM((64, 16, 256), f32),
            pltpu.VMEM((64, 16, 256), f32),
            pltpu.SemaphoreType.DMA,
            pltpu.SemaphoreType.DMA,
            pltpu.SemaphoreType.DMA,
        ],
    )
    o1, od22 = tc_run(bbox, x_block1, x_decoder)
    od = jnp.transpose(od22, (2, 0, 1))
    return (
        o1.reshape(1, 256, 1, 1),
        o2.reshape(1, 512, 1, 1),
        o3.reshape(1, 1024, 1, 1),
        o4.reshape(1, 2048, 1, 1),
        od.reshape(1, 64, 2, 2),
    )

# --- scband reference (transcript-rebuilt; emitter-appended) ---
"""Pipeline reference for scband-c-68272800137352 (READ-ONLY COPY).

The authoritative reference and input builder live on the scoring server;
editing this copy changes nothing except your own understanding.
"""

import jax, jax.numpy as jnp
import numpy as np


def _crop_and_resize(feat, box, ch, cw):
    # feat: [1, C, H, W]; box: [x1, y1, x2, y2] in feature-map coordinates
    H = feat.shape[2]
    W = feat.shape[3]
    x1, y1, x2, y2 = box[0], box[1], box[2], box[3]
    if ch > 1:
        ys = y1 + (y2 - y1) * jnp.arange(ch, dtype=jnp.float32) / (ch - 1)
    else:
        ys = ((y1 + y2) * 0.5).reshape(1)
    if cw > 1:
        xs = x1 + (x2 - x1) * jnp.arange(cw, dtype=jnp.float32) / (cw - 1)
    else:
        xs = ((x1 + x2) * 0.5).reshape(1)
    ys = jnp.clip(ys, 0.0, float(H - 1))
    xs = jnp.clip(xs, 0.0, float(W - 1))
    y0f = jnp.floor(ys)
    x0f = jnp.floor(xs)
    ly = ys - y0f
    lx = xs - x0f
    y0 = y0f.astype(jnp.int32)
    x0 = x0f.astype(jnp.int32)
    y1i = jnp.clip(y0 + 1, 0, H - 1)
    x1i = jnp.clip(x0 + 1, 0, W - 1)
    f = feat[0]  # [C, H, W]
    fa = f[:, y0][:, :, x0]
    fb = f[:, y0][:, :, x1i]
    fc = f[:, y1i][:, :, x0]
    fd = f[:, y1i][:, :, x1i]
    top = fa * (1.0 - lx)[None, None, :] + fb * lx[None, None, :]
    bot = fc * (1.0 - lx)[None, None, :] + fd * lx[None, None, :]
    out = top * (1.0 - ly)[None, :, None] + bot * ly[None, :, None]
    return out[None]  # [1, C, ch, cw]


def _forward(x_block1, x_block2, x_block3, x_block4, x_decoder, bbox):
    # crop sizes are computed from the constant bbox values always passed by setup_inputs
    b = np.arange(bbox.shape[1], dtype=np.float64)
    outs = []
    for feat, s in ((x_block1, 4.0), (x_block2, 8.0), (x_block3, 16.0), (x_block4, 32.0), (x_decoder, 2.0)):
        bs = b / s
        h = max(int(np.ceil(bs[3] - bs[1] + 1.0 / s)), 1)
        w = max(int(np.ceil(bs[2] - bs[0] + 1.0 / s)), 1)
        box = bbox[0] / s
        outs.append(_crop_and_resize(feat, box, h, w))
    return tuple(outs)


def setup_inputs(seed: int = 0) -> dict:
    key = jax.random.key(seed)
    ks = jax.random.split(key, 6)
    x_block1 = jax.random.normal(ks[0], (1, 256, 128, 128), dtype=jnp.float32)
    x_block2 = jax.random.normal(ks[1], (1, 512, 64, 64), dtype=jnp.float32)
    x_block3 = jax.random.normal(ks[2], (1, 1024, 32, 32), dtype=jnp.float32)
    x_block4 = jax.random.normal(ks[3], (1, 2048, 16, 16), dtype=jnp.float32)
    x_decoder = jax.random.normal(ks[4], (1, 64, 256, 256), dtype=jnp.float32)
    bbox = jnp.arange(4, dtype=jnp.float32).reshape(1, 4)
    return {"x_block1": x_block1, "x_block2": x_block2, "x_block3": x_block3, "x_block4": x_block4, "x_decoder": x_decoder, "bbox": bbox}


def reference(x_block1, x_block2, x_block3, x_block4, x_decoder, bbox):
    return _forward(x_block1, x_block2, x_block3, x_block4, x_decoder, bbox)

if __name__ == "__main__":
    import jax
    _d = setup_inputs()
    print(jax.jit(kernel)(*tuple(_d.values())))

</pallas_src>

<mosaic_0001>
#map = affine_map<(d0, d1) -> (0, 0, 0, 0)>
#map1 = affine_map<(d0, d1) -> (0, 0)>
#map2 = affine_map<(d0, d1) -> (0)>
module attributes {stable_mosaic.version = 14 : i64} {
  func.func @_sc_body(%arg0: i32, %arg1: i32, %arg2: memref<1x64x64x512xf32, #tpu.memory_space<hbm>>, %arg3: memref<1x32x32x1024xf32, #tpu.memory_space<hbm>>, %arg4: memref<1x16x16x2048xf32, #tpu.memory_space<hbm>>, %arg5: memref<1x4xf32, #tpu.memory_space<hbm>>, %arg6: memref<512xf32, #tpu.memory_space<hbm>>, %arg7: memref<1024xf32, #tpu.memory_space<hbm>>, %arg8: memref<2048xf32, #tpu.memory_space<hbm>>, %arg9: memref<16xf32, #tpu.memory_space<vmem>>, %arg10: memref<256xf32, #tpu.memory_space<vmem>>, %arg11: memref<256xf32, #tpu.memory_space<vmem>>, %arg12: memref<256xf32, #tpu.memory_space<vmem>>, %arg13: memref<256xf32, #tpu.memory_space<vmem>>, %arg14: memref<256xf32, #tpu.memory_space<vmem>>, %arg15: memref<!tpu.dma_semaphore, #tpu.memory_space<semaphore_mem>>, %arg16: memref<!tpu.dma_semaphore, #tpu.memory_space<semaphore_mem>>, %arg17: memref<!tpu.dma_semaphore, #tpu.memory_space<semaphore_mem>>, %arg18: memref<!tpu.dma_semaphore, #tpu.memory_space<semaphore_mem>>) attributes {dimension_semantics = [#tpu.dimension_semantics<core_parallel>, #tpu.dimension_semantics<subcore_parallel>], iteration_bounds = array<i64: 1, 16>, scalar_prefetch = 0 : i64, scratch_operands = 10 : i64, tpu.core_type = #tpu.core_type<sc_vector_subcore>, window_params = [{transform_indices = #map}, {transform_indices = #map}, {transform_indices = #map}, {transform_indices = #map1}, {transform_indices = #map2}, {transform_indices = #map2}, {transform_indices = #map2}]} {
    %mul3A = arith.constant 16 : i32
    %mul3A_0 = arith.muli %arg0, %mul3A : i32
    %add3A = arith.addi %mul3A_0, %arg1 : i32
    %run_scoped3A = arith.constant 0 : i32
    "tpu.region"() ({
      %run_scoped3A_127 = tpu.sem_alloc : memref<!tpu.dma_semaphore, #tpu.memory_space<semaphore_mem>>
      %dma_start3A = arith.constant 0 : i32
      %dma_start3A_128 = tpu.memref_slice %arg9[%dma_start3A] : memref<16xf32, #tpu.memory_space<vmem>> -> memref<4xf32, #tpu.memory_space<vmem>>
      %dma_start3A_129 = arith.constant 0 : i32
      %dma_start3A_130 = tpu.memref_slice %arg5[%run_scoped3A, %dma_start3A_129] : memref<1x4xf32, #tpu.memory_space<hbm>> -> memref<1x4xf32, #tpu.memory_space<hbm>>
      %dma_start3A_131 = tpu.memref_squeeze %dma_start3A_130 : memref<1x4xf32, #tpu.memory_space<hbm>> -> memref<4xf32, #tpu.memory_space<hbm>>
      %dma_start3A_132 = arith.constant 0 : i32
      %dma_start3A_133 = tpu.memref_slice %arg9[%dma_start3A_132] : memref<16xf32, #tpu.memory_space<vmem>> -> memref<4xf32, #tpu.memory_space<vmem>>
      %dma_start3A_134 = arith.constant 0 : i32
      %dma_start3A_135 = tpu.memref_slice %arg5[%run_scoped3A, %dma_start3A_134] : memref<1x4xf32, #tpu.memory_space<hbm>> -> memref<1x4xf32, #tpu.memory_space<hbm>>
      %dma_start3A_136 = tpu.memref_squeeze %dma_start3A_135 : memref<1x4xf32, #tpu.memory_space<hbm>> -> memref<4xf32, #tpu.memory_space<hbm>>
      tpu.enqueue_dma source(%dma_start3A_136 : memref<4xf32, #tpu.memory_space<hbm>>) target(%dma_start3A_133 : memref<4xf32, #tpu.memory_space<vmem>>) target_semaphore(%run_scoped3A_127 : memref<!tpu.dma_semaphore, #tpu.memory_space<semaphore_mem>>)
      %dma_wait3A = arith.constant 0 : i32
      %dma_wait3A_137 = tpu.memref_slice %arg9[%dma_wait3A] : memref<16xf32, #tpu.memory_space<vmem>> -> memref<4xf32, #tpu.memory_space<vmem>>
      %dma_wait3A_138 = arith.constant 0 : i32
      %dma_wait3A_139 = tpu.memref_slice %arg5[%run_scoped3A, %dma_wait3A_138] : memref<1x4xf32, #tpu.memory_space<hbm>> -> memref<1x4xf32, #tpu.memory_space<hbm>>
      %dma_wait3A_140 = tpu.memref_squeeze %dma_wait3A_139 : memref<1x4xf32, #tpu.memory_space<hbm>> -> memref<4xf32, #tpu.memory_space<hbm>>
      %dma_wait3A_141 = arith.constant 0 : i32
      %dma_wait3A_142 = tpu.memref_slice %arg9[%dma_wait3A_141] : memref<16xf32, #tpu.memory_space<vmem>> -> memref<4xf32, #tpu.memory_space<vmem>>
      %dma_wait3A_143 = arith.constant 0 : i32
      %dma_wait3A_144 = tpu.memref_slice %arg5[%run_scoped3A, %dma_wait3A_143] : memref<1x4xf32, #tpu.memory_space<hbm>> -> memref<1x4xf32, #tpu.memory_space<hbm>>
      %dma_wait3A_145 = tpu.memref_squeeze %dma_wait3A_144 : memref<1x4xf32, #tpu.memory_space<hbm>> -> memref<4xf32, #tpu.memory_space<hbm>>
      tpu.wait_dma2 semaphore(%run_scoped3A_127 : memref<!tpu.dma_semaphore, #tpu.memory_space<semaphore_mem>>) src(%dma_wait3A_145 : memref<4xf32, #tpu.memory_space<hbm>>) dst(%dma_wait3A_142 : memref<4xf32, #tpu.memory_space<vmem>>)
      tpu.yield
    }) : () -> ()
    %get3A = arith.constant 0 : index
    %get3A_1 = tpu.vector_load %arg9[%get3A] {strides = array<i32>} : memref<16xf32, #tpu.memory_space<vmem>>, vector<16xf32>,
    %get3A_2 = vector.shape_cast %get3A_1 : vector<16xf32> to vector<16xf32>
    %slice3A = vector.extract_strided_slice %get3A_2 {offsets = [0], sizes = [1], strides = [1]} : vector<16xf32> to vector<1xf32>
    %squeeze3A = vector.extract %slice3A[0] : f32 from vector<1xf32>
    %slice3A_3 = vector.extract_strided_slice %get3A_2 {offsets = [1], sizes = [1], strides = [1]} : vector<16xf32> to vector<1xf32>
    %squeeze3A_4 = vector.extract %slice3A_3[0] : f32 from vector<1xf32>
    %slice3A_5 = vector.extract_strided_slice %get3A_2 {offsets = [2], sizes = [1], strides = [1]} : vector<16xf32> to vector<1xf32>
    %squeeze3A_6 = vector.extract %slice3A_5[0] : f32 from vector<1xf32>
    %slice3A_7 = vector.extract_strided_slice %get3A_2 {offsets = [3], sizes = [1], strides = [1]} : vector<16xf32> to vector<1xf32>
    %squeeze3A_8 = vector.extract %slice3A_7[0] : f32 from vector<1xf32>
    %lt3A = arith.constant 2 : i32
    %lt3A_9 = arith.cmpi slt, %add3A, %lt3A : i32
    %lt3A_10 = arith.constant 6 : i32
    %lt3A_11 = arith.cmpi slt, %add3A, %lt3A_10 : i32
    %jit3A = arith.constant 32 : i32
    %jit3A_12 = arith.constant 16 : i32
    %select_n3A = arith.select %lt3A_11, %jit3A, %jit3A_12 : i32
    %jit3A_13 = arith.constant 64 : i32
    %select_n3A_14 = arith.select %lt3A_9, %jit3A_13, %select_n3A : i32
    %lt3A_15 = arith.constant 2 : i32
    %lt3A_16 = arith.cmpi slt, %add3A, %lt3A_15 : i32
    %lt3A_17 = arith.constant 6 : i32
    %lt3A_18 = arith.cmpi slt, %add3A, %lt3A_17 : i32
    %jit3A_19 = arith.constant 32 : i32
    %jit3A_20 = arith.constant 16 : i32
    %select_n3A_21 = arith.select %lt3A_18, %jit3A_19, %jit3A_20 : i32
    %jit3A_22 = arith.constant 64 : i32
    %select_n3A_23 = arith.select %lt3A_16, %jit3A_22, %select_n3A_21 : i32
    %lt3A_24 = arith.constant 2 : i32
    %lt3A_25 = arith.cmpi slt, %add3A, %lt3A_24 : i32
    %lt3A_26 = arith.constant 6 : i32
    %lt3A_27 = arith.cmpi slt, %add3A, %lt3A_26 : i32
    %jit3A_28 = arith.constant 6.250000e-02 : f32
    %jit3A_29 = arith.constant 3.125000e-02 : f32
    %select_n3A_30 = arith.select %lt3A_27, %jit3A_28, %jit3A_29 : f32
    %jit3A_31 = arith.constant 1.250000e-01 : f32
    %select_n3A_32 = arith.select %lt3A_25, %jit3A_31, %select_n3A_30 : f32
    %lt3A_33 = arith.constant 2 : i32
    %lt3A_34 = arith.cmpi slt, %add3A, %lt3A_33 : i32
    %lt3A_35 = arith.constant 6 : i32
    %lt3A_36 = arith.cmpi slt, %add3A, %lt3A_35 : i32
    %jit3A_37 = arith.constant 2 : i32
    %jit3A_38 = arith.constant 6 : i32
    %select_n3A_39 = arith.select %lt3A_36, %jit3A_37, %jit3A_38 : i32
    %jit3A_40 = arith.constant 0 : i32
    %select_n3A_41 = arith.select %lt3A_34, %jit3A_40, %select_n3A_39 : i32
    %add3A_42 = arith.addf %squeeze3A_4, %squeeze3A_8 : f32
    %mul3A_43 = arith.constant 5.000000e-01 : f32
    %mul3A_44 = arith.mulf %add3A_42, %mul3A_43 : f32
    %mul3A_45 = arith.mulf %mul3A_44, %select_n3A_32 : f32
    %sub3A = arith.constant 1 : i32
    %sub3A_46 = arith.subi %select_n3A_14, %sub3A : i32
    %convert_element_type3A = arith.sitofp %sub3A_46 : i32 to f32
    %mul3A_47 = arith.constant 1.000000e+00 : f32
    %mul3A_48 = arith.mulf %convert_element_type3A, %mul3A_47 : f32
    %jit3A_49 = arith.constant 0.000000e+00 : f32
    %max3A = arith.maximumf %jit3A_49, %mul3A_45 : f32
    %min3A = arith.minimumf %mul3A_48, %max3A : f32
    %convert_element_type3A_50 = arith.fptosi %min3A : f32 to i32
    %convert_element_type3A_51 = arith.sitofp %convert_element_type3A_50 : i32 to f32
    %sub3A_52 = arith.subf %min3A, %convert_element_type3A_51 : f32
    %add3A_53 = arith.constant 1 : i32
    %add3A_54 = arith.addi %convert_element_type3A_50, %add3A_53 : i32
    %min3A_55 = arith.minsi %add3A_54, %sub3A_46 : i32
    %add3A_56 = arith.addf %squeeze3A, %squeeze3A_6 : f32
    %mul3A_57 = arith.constant 5.000000e-01 : f32
    %mul3A_58 = arith.mulf %add3A_56, %mul3A_57 : f32
    %mul3A_59 = arith.mulf %mul3A_58, %select_n3A_32 : f32
    %sub3A_60 = arith.constant 1 : i32
    %sub3A_61 = arith.subi %select_n3A_23, %sub3A_60 : i32
    %convert_element_type3A_62 = arith.sitofp %sub3A_61 : i32 to f32
    %mul3A_63 = arith.constant 1.000000e+00 : f32
    %mul3A_64 = arith.mulf %convert_element_type3A_62, %mul3A_63 : f32
    %jit3A_65 = arith.constant 0.000000e+00 : f32
    %max3A_66 = arith.maximumf %jit3A_65, %mul3A_59 : f32
    %min3A_67 = arith.minimumf %mul3A_64, %max3A_66 : f32
    %convert_element_type3A_68 = arith.fptosi %min3A_67 : f32 to i32
    %convert_element_type3A_69 = arith.sitofp %convert_element_type3A_68 : i32 to f32
    %sub3A_70 = arith.subf %min3A_67, %convert_element_type3A_69 : f32
    %add3A_71 = arith.constant 1 : i32
    %add3A_72 = arith.addi %convert_element_type3A_68, %add3A_71 : i32
    %min3A_73 = arith.minsi %add3A_72, %sub3A_61 : i32
    %sub3A_74 = arith.subi %add3A, %select_n3A_41 : i32
    %mul3A_75 = arith.constant 256 : i32
    %mul3A_76 = arith.muli %sub3A_74, %mul3A_75 : i32
    %multiple_of3A = tpu.assume_multiple %mul3A_76, 256 : i32
    %ge3A = arith.constant 0 : i32
    %ge3A_77 = arith.cmpi sge, %add3A, %ge3A : i32
    %lt3A_78 = arith.constant 2 : i32
    %lt3A_79 = arith.cmpi slt, %add3A, %lt3A_78 : i32
    %and3A = arith.andi %ge3A_77, %lt3A_79 : i1
    %convert_element_type3A_80 = arith.extui %and3A : i1 to i32
    %cond3A = arith.constant 0 : i32
    %cond3A_81 = arith.cmpi ne, %convert_element_type3A_80, %cond3A : i32
    scf.if %cond3A_81 {
      %dma_start3A = arith.constant 0 : i32
      %dma_start3A_127 = tpu.memref_slice %arg2[%dma_start3A, %convert_element_type3A_50, %convert_element_type3A_68, %multiple_of3A] : memref<1x64x64x512xf32, #tpu.memory_space<hbm>> -> memref<1x1x1x256xf32, #tpu.memory_space<hbm>>
      %dma_start3A_128 = tpu.memref_squeeze %dma_start3A_127 : memref<1x1x1x256xf32, #tpu.memory_space<hbm>> -> memref<256xf32, #tpu.memory_space<hbm>>
      %dma_start3A_129 = tpu.memref_slice %arg2[%dma_start3A, %convert_element_type3A_50, %convert_element_type3A_68, %multiple_of3A] : memref<1x64x64x512xf32, #tpu.memory_space<hbm>> -> memref<1x1x1x256xf32, #tpu.memory_space<hbm>>
      %dma_start3A_130 = tpu.memref_squeeze %dma_start3A_129 : memref<1x1x1x256xf32, #tpu.memory_space<hbm>> -> memref<256xf32, #tpu.memory_space<hbm>>
      tpu.enqueue_dma source(%dma_start3A_130 : memref<256xf32, #tpu.memory_space<hbm>>) target(%arg10 : memref<256xf32, #tpu.memory_space<vmem>>) target_semaphore(%arg15 : memref<!tpu.dma_semaphore, #tpu.memory_space<semaphore_mem>>)
      %dma_start3A_131 = arith.constant 0 : i32
      %dma_start3A_132 = tpu.memref_slice %arg2[%dma_start3A_131, %convert_element_type3A_50, %min3A_73, %multiple_of3A] : memref<1x64x64x512xf32, #tpu.memory_space<hbm>> -> memref<1x1x1x256xf32, #tpu.memory_space<hbm>>
      %dma_start3A_133 = tpu.memref_squeeze %dma_start3A_132 : memref<1x1x1x256xf32, #tpu.memory_space<hbm>> -> memref<256xf32, #tpu.memory_space<hbm>>
      %dma_start3A_134 = tpu.memref_slice %arg2[%dma_start3A_131, %convert_element_type3A_50, %min3A_73, %multiple_of3A] : memref<1x64x64x512xf32, #tpu.memory_space<hbm>> -> memref<1x1x1x256xf32, #tpu.memory_space<hbm>>
      %dma_start3A_135 = tpu.memref_squeeze %dma_start3A_134 : memref<1x1x1x256xf32, #tpu.memory_space<hbm>> -> memref<256xf32, #tpu.memory_space<hbm>>
      tpu.enqueue_dma source(%dma_start3A_135 : memref<256xf32, #tpu.memory_space<hbm>>) target(%arg11 : memref<256xf32, #tpu.memory_space<vmem>>) target_semaphore(%arg16 : memref<!tpu.dma_semaphore, #tpu.memory_space<semaphore_mem>>)
      %dma_start3A_136 = arith.constant 0 : i32
      %dma_start3A_137 = tpu.memref_slice %arg2[%dma_start3A_136, %min3A_55, %convert_element_type3A_68, %multiple_of3A] : memref<1x64x64x512xf32, #tpu.memory_space<hbm>> -> memref<1x1x1x256xf32, #tpu.memory_space<hbm>>
      %dma_start3A_138 = tpu.memref_squeeze %dma_start3A_137 : memref<1x1x1x256xf32, #tpu.memory_space<hbm>> -> memref<256xf32, #tpu.memory_space<hbm>>
      %dma_start3A_139 = tpu.memref_slice %arg2[%dma_start3A_136, %min3A_55, %convert_element_type3A_68, %multiple_of3A] : memref<1x64x64x512xf32, #tpu.memory_space<hbm>> -> memref<1x1x1x256xf32, #tpu.memory_space<hbm>>
      %dma_start3A_140 = tpu.memref_squeeze %dma_start3A_139 : memref<1x1x1x256xf32, #tpu.memory_space<hbm>> -> memref<256xf32, #tpu.memory_space<hbm>>
      tpu.enqueue_dma source(%dma_start3A_140 : memref<256xf32, #tpu.memory_space<hbm>>) target(%arg12 : memref<256xf32, #tpu.memory_space<vmem>>) target_semaphore(%arg17 : memref<!tpu.dma_semaphore, #tpu.memory_space<semaphore_mem>>)
      %dma_start3A_141 = arith.constant 0 : i32
      %dma_start3A_142 = tpu.memref_slice %arg2[%dma_start3A_141, %min3A_55, %min3A_73, %multiple_of3A] : memref<1x64x64x512xf32, #tpu.memory_space<hbm>> -> memref<1x1x1x256xf32, #tpu.memory_space<hbm>>
      %dma_start3A_143 = tpu.memref_squeeze %dma_start3A_142 : memref<1x1x1x256xf32, #tpu.memory_space<hbm>> -> memref<256xf32, #tpu.memory_space<hbm>>
      %dma_start3A_144 = tpu.memref_slice %arg2[%dma_start3A_141, %min3A_55, %min3A_73, %multiple_of3A] : memref<1x64x64x512xf32, #tpu.memory_space<hbm>> -> memref<1x1x1x256xf32, #tpu.memory_space<hbm>>
      %dma_start3A_145 = tpu.memref_squeeze %dma_start3A_144 : memref<1x1x1x256xf32, #tpu.memory_space<hbm>> -> memref<256xf32, #tpu.memory_space<hbm>>
      tpu.enqueue_dma source(%dma_start3A_145 : memref<256xf32, #tpu.memory_space<hbm>>) target(%arg13 : memref<256xf32, #tpu.memory_space<vmem>>) target_semaphore(%arg18 : memref<!tpu.dma_semaphore, #tpu.memory_space<semaphore_mem>>)
    } else {
    }
    %ge3A_82 = arith.constant 2 : i32
    %ge3A_83 = arith.cmpi sge, %add3A, %ge3A_82 : i32
    %lt3A_84 = arith.constant 6 : i32
    %lt3A_85 = arith.cmpi slt, %add3A, %lt3A_84 : i32
    %and3A_86 = arith.andi %ge3A_83, %lt3A_85 : i1
    %convert_element_type3A_87 = arith.extui %and3A_86 : i1 to i32
    %cond3A_88 = arith.constant 0 : i32
    %cond3A_89 = arith.cmpi ne, %convert_element_type3A_87, %cond3A_88 : i32
    scf.if %cond3A_89 {
      %dma_start3A = arith.constant 0 : i32
      %dma_start3A_127 = tpu.memref_slice %arg3[%dma_start3A, %convert_element_type3A_50, %convert_element_type3A_68, %multiple_of3A] : memref<1x32x32x1024xf32, #tpu.memory_space<hbm>> -> memref<1x1x1x256xf32, #tpu.memory_space<hbm>>
      %dma_start3A_128 = tpu.memref_squeeze %dma_start3A_127 : memref<1x1x1x256xf32, #tpu.memory_space<hbm>> -> memref<256xf32, #tpu.memory_space<hbm>>
      %dma_start3A_129 = tpu.memref_slice %arg3[%dma_start3A, %convert_element_type3A_50, %convert_element_type3A_68, %multiple_of3A] : memref<1x32x32x1024xf32, #tpu.memory_space<hbm>> -> memref<1x1x1x256xf32, #tpu.memory_space<hbm>>
      %dma_start3A_130 = tpu.memref_squeeze %dma_start3A_129 : memref<1x1x1x256xf32, #tpu.memory_space<hbm>> -> memref<256xf32, #tpu.memory_space<hbm>>
      tpu.enqueue_dma source(%dma_start3A_130 : memref<256xf32, #tpu.memory_space<hbm>>) target(%arg10 : memref<256xf32, #tpu.memory_space<vmem>>) target_semaphore(%arg15 : memref<!tpu.dma_semaphore, #tpu.memory_space<semaphore_mem>>)
      %dma_start3A_131 = arith.constant 0 : i32
      %dma_start3A_132 = tpu.memref_slice %arg3[%dma_start3A_131, %convert_element_type3A_50, %min3A_73, %multiple_of3A] : memref<1x32x32x1024xf32, #tpu.memory_space<hbm>> -> memref<1x1x1x256xf32, #tpu.memory_space<hbm>>
      %dma_start3A_133 = tpu.memref_squeeze %dma_start3A_132 : memref<1x1x1x256xf32, #tpu.memory_space<hbm>> -> memref<256xf32, #tpu.memory_space<hbm>>
      %dma_start3A_134 = tpu.memref_slice %arg3[%dma_start3A_131, %convert_element_type3A_50, %min3A_73, %multiple_of3A] : memref<1x32x32x1024xf32, #tpu.memory_space<hbm>> -> memref<1x1x1x256xf32, #tpu.memory_space<hbm>>
      %dma_start3A_135 = tpu.memref_squeeze %dma_start3A_134 : memref<1x1x1x256xf32, #tpu.memory_space<hbm>> -> memref<256xf32, #tpu.memory_space<hbm>>
      tpu.enqueue_dma source(%dma_start3A_135 : memref<256xf32, #tpu.memory_space<hbm>>) target(%arg11 : memref<256xf32, #tpu.memory_space<vmem>>) target_semaphore(%arg16 : memref<!tpu.dma_semaphore, #tpu.memory_space<semaphore_mem>>)
      %dma_start3A_136 = arith.constant 0 : i32
      %dma_start3A_137 = tpu.memref_slice %arg3[%dma_start3A_136, %min3A_55, %convert_element_type3A_68, %multiple_of3A] : memref<1x32x32x1024xf32, #tpu.memory_space<hbm>> -> memref<1x1x1x256xf32, #tpu.memory_space<hbm>>
      %dma_start3A_138 = tpu.memref_squeeze %dma_start3A_137 : memref<1x1x1x256xf32, #tpu.memory_space<hbm>> -> memref<256xf32, #tpu.memory_space<hbm>>
      %dma_start3A_139 = tpu.memref_slice %arg3[%dma_start3A_136, %min3A_55, %convert_element_type3A_68, %multiple_of3A] : memref<1x32x32x1024xf32, #tpu.memory_space<hbm>> -> memref<1x1x1x256xf32, #tpu.memory_space<hbm>>
      %dma_start3A_140 = tpu.memref_squeeze %dma_start3A_139 : memref<1x1x1x256xf32, #tpu.memory_space<hbm>> -> memref<256xf32, #tpu.memory_space<hbm>>
      tpu.enqueue_dma source(%dma_start3A_140 : memref<256xf32, #tpu.memory_space<hbm>>) target(%arg12 : memref<256xf32, #tpu.memory_space<vmem>>) target_semaphore(%arg17 : memref<!tpu.dma_semaphore, #tpu.memory_space<semaphore_mem>>)
      %dma_start3A_141 = arith.constant 0 : i32
      %dma_start3A_142 = tpu.memref_slice %arg3[%dma_start3A_141, %min3A_55, %min3A_73, %multiple_of3A] : memref<1x32x32x1024xf32, #tpu.memory_space<hbm>> -> memref<1x1x1x256xf32, #tpu.memory_space<hbm>>
      %dma_start3A_143 = tpu.memref_squeeze %dma_start3A_142 : memref<1x1x1x256xf32, #tpu.memory_space<hbm>> -> memref<256xf32, #tpu.memory_space<hbm>>
      %dma_start3A_144 = tpu.memref_slice %arg3[%dma_start3A_141, %min3A_55, %min3A_73, %multiple_of3A] : memref<1x32x32x1024xf32, #tpu.memory_space<hbm>> -> memref<1x1x1x256xf32, #tpu.memory_space<hbm>>
      %dma_start3A_145 = tpu.memref_squeeze %dma_start3A_144 : memref<1x1x1x256xf32, #tpu.memory_space<hbm>> -> memref<256xf32, #tpu.memory_space<hbm>>
      tpu.enqueue_dma source(%dma_start3A_145 : memref<256xf32, #tpu.memory_space<hbm>>) target(%arg13 : memref<256xf32, #tpu.memory_space<vmem>>) target_semaphore(%arg18 : memref<!tpu.dma_semaphore, #tpu.memory_space<semaphore_mem>>)
    } else {
    }
    %ge3A_90 = arith.constant 6 : i32
    %ge3A_91 = arith.cmpi sge, %add3A, %ge3A_90 : i32
    %lt3A_92 = arith.constant 14 : i32
    %lt3A_93 = arith.cmpi slt, %add3A, %lt3A_92 : i32
    %and3A_94 = arith.andi %ge3A_91, %lt3A_93 : i1
    %convert_element_type3A_95 = arith.extui %and3A_94 : i1 to i32
    %cond3A_96 = arith.constant 0 : i32
    %cond3A_97 = arith.cmpi ne, %convert_element_type3A_95, %cond3A_96 : i32
    scf.if %cond3A_97 {
      %dma_start3A = arith.constant 0 : i32
      %dma_start3A_127 = tpu.memref_slice %arg4[%dma_start3A, %convert_element_type3A_50, %convert_element_type3A_68, %multiple_of3A] : memref<1x16x16x2048xf32, #tpu.memory_space<hbm>> -> memref<1x1x1x256xf32, #tpu.memory_space<hbm>>
      %dma_start3A_128 = tpu.memref_squeeze %dma_start3A_127 : memref<1x1x1x256xf32, #tpu.memory_space<hbm>> -> memref<256xf32, #tpu.memory_space<hbm>>
      %dma_start3A_129 = tpu.memref_slice %arg4[%dma_start3A, %convert_element_type3A_50, %convert_element_type3A_68, %multiple_of3A] : memref<1x16x16x2048xf32, #tpu.memory_space<hbm>> -> memref<1x1x1x256xf32, #tpu.memory_space<hbm>>
      %dma_start3A_130 = tpu.memref_squeeze %dma_start3A_129 : memref<1x1x1x256xf32, #tpu.memory_space<hbm>> -> memref<256xf32, #tpu.memory_space<hbm>>
      tpu.enqueue_dma source(%dma_start3A_130 : memref<256xf32, #tpu.memory_space<hbm>>) target(%arg10 : memref<256xf32, #tpu.memory_space<vmem>>) target_semaphore(%arg15 : memref<!tpu.dma_semaphore, #tpu.memory_space<semaphore_mem>>)
      %dma_start3A_131 = arith.constant 0 : i32
      %dma_start3A_132 = tpu.memref_slice %arg4[%dma_start3A_131, %convert_element_type3A_50, %min3A_73, %multiple_of3A] : memref<1x16x16x2048xf32, #tpu.memory_space<hbm>> -> memref<1x1x1x256xf32, #tpu.memory_space<hbm>>
      %dma_start3A_133 = tpu.memref_squeeze %dma_start3A_132 : memref<1x1x1x256xf32, #tpu.memory_space<hbm>> -> memref<256xf32, #tpu.memory_space<hbm>>
      %dma_start3A_134 = tpu.memref_slice %arg4[%dma_start3A_131, %convert_element_type3A_50, %min3A_73, %multiple_of3A] : memref<1x16x16x2048xf32, #tpu.memory_space<hbm>> -> memref<1x1x1x256xf32, #tpu.memory_space<hbm>>
      %dma_start3A_135 = tpu.memref_squeeze %dma_start3A_134 : memref<1x1x1x256xf32, #tpu.memory_space<hbm>> -> memref<256xf32, #tpu.memory_space<hbm>>
      tpu.enqueue_dma source(%dma_start3A_135 : memref<256xf32, #tpu.memory_space<hbm>>) target(%arg11 : memref<256xf32, #tpu.memory_space<vmem>>) target_semaphore(%arg16 : memref<!tpu.dma_semaphore, #tpu.memory_space<semaphore_mem>>)
      %dma_start3A_136 = arith.constant 0 : i32
      %dma_start3A_137 = tpu.memref_slice %arg4[%dma_start3A_136, %min3A_55, %convert_element_type3A_68, %multiple_of3A] : memref<1x16x16x2048xf32, #tpu.memory_space<hbm>> -> memref<1x1x1x256xf32, #tpu.memory_space<hbm>>
      %dma_start3A_138 = tpu.memref_squeeze %dma_start3A_137 : memref<1x1x1x256xf32, #tpu.memory_space<hbm>> -> memref<256xf32, #tpu.memory_space<hbm>>
      %dma_start3A_139 = tpu.memref_slice %arg4[%dma_start3A_136, %min3A_55, %convert_element_type3A_68, %multiple_of3A] : memref<1x16x16x2048xf32, #tpu.memory_space<hbm>> -> memref<1x1x1x256xf32, #tpu.memory_space<hbm>>
      %dma_start3A_140 = tpu.memref_squeeze %dma_start3A_139 : memref<1x1x1x256xf32, #tpu.memory_space<hbm>> -> memref<256xf32, #tpu.memory_space<hbm>>
      tpu.enqueue_dma source(%dma_start3A_140 : memref<256xf32, #tpu.memory_space<hbm>>) target(%arg12 : memref<256xf32, #tpu.memory_space<vmem>>) target_semaphore(%arg17 : memref<!tpu.dma_semaphore, #tpu.memory_space<semaphore_mem>>)
      %dma_start3A_141 = arith.constant 0 : i32
      %dma_start3A_142 = tpu.memref_slice %arg4[%dma_start3A_141, %min3A_55, %min3A_73, %multiple_of3A] : memref<1x16x16x2048xf32, #tpu.memory_space<hbm>> -> memref<1x1x1x256xf32, #tpu.memory_space<hbm>>
      %dma_start3A_143 = tpu.memref_squeeze %dma_start3A_142 : memref<1x1x1x256xf32, #tpu.memory_space<hbm>> -> memref<256xf32, #tpu.memory_space<hbm>>
      %dma_start3A_144 = tpu.memref_slice %arg4[%dma_start3A_141, %min3A_55, %min3A_73, %multiple_of3A] : memref<1x16x16x2048xf32, #tpu.memory_space<hbm>> -> memref<1x1x1x256xf32, #tpu.memory_space<hbm>>
      %dma_start3A_145 = tpu.memref_squeeze %dma_start3A_144 : memref<1x1x1x256xf32, #tpu.memory_space<hbm>> -> memref<256xf32, #tpu.memory_space<hbm>>
      tpu.enqueue_dma source(%dma_start3A_145 : memref<256xf32, #tpu.memory_space<hbm>>) target(%arg13 : memref<256xf32, #tpu.memory_space<vmem>>) target_semaphore(%arg18 : memref<!tpu.dma_semaphore, #tpu.memory_space<semaphore_mem>>)
    } else {
    }
    %lt3A_98 = arith.constant 14 : i32
    %lt3A_99 = arith.cmpi slt, %add3A, %lt3A_98 : i32
    %convert_element_type3A_100 = arith.extui %lt3A_99 : i1 to i32
    %cond3A_101 = arith.constant 0 : i32
    %cond3A_102 = arith.cmpi ne, %convert_element_type3A_100, %cond3A_101 : i32
    scf.if %cond3A_102 {
      %dma_wait3A = arith.constant 0 : i32
      %dma_wait3A_127 = arith.constant 0 : i32
      %dma_wait3A_128 = arith.constant 0 : i32
      %dma_wait3A_129 = arith.constant 0 : i32
      %dma_wait3A_130 = tpu.memref_slice %arg2[%dma_wait3A, %dma_wait3A_127, %dma_wait3A_128, %dma_wait3A_129] : memref<1x64x64x512xf32, #tpu.memory_space<hbm>> -> memref<1x1x1x256xf32, #tpu.memory_space<hbm>>
      %dma_wait3A_131 = tpu.memref_squeeze %dma_wait3A_130 : memref<1x1x1x256xf32, #tpu.memory_space<hbm>> -> memref<256xf32, #tpu.memory_space<hbm>>
      %dma_wait3A_132 = arith.constant 0 : i32
      %dma_wait3A_133 = tpu.memref_slice %arg2[%dma_wait3A, %dma_wait3A_127, %dma_wait3A_128, %dma_wait3A_132] : memref<1x64x64x512xf32, #tpu.memory_space<hbm>> -> memref<1x1x1x256xf32, #tpu.memory_space<hbm>>
      %dma_wait3A_134 = tpu.memref_squeeze %dma_wait3A_133 : memref<1x1x1x256xf32, #tpu.memory_space<hbm>> -> memref<256xf32, #tpu.memory_space<hbm>>
      tpu.wait_dma2 semaphore(%arg15 : memref<!tpu.dma_semaphore, #tpu.memory_space<semaphore_mem>>) src(%dma_wait3A_134 : memref<256xf32, #tpu.memory_space<hbm>>) dst(%arg10 : memref<256xf32, #tpu.memory_space<vmem>>)
      %dma_wait3A_135 = arith.constant 0 : i32
      %dma_wait3A_136 = arith.constant 0 : i32
      %dma_wait3A_137 = arith.constant 0 : i32
      %dma_wait3A_138 = arith.constant 0 : i32
      %dma_wait3A_139 = tpu.memref_slice %arg2[%dma_wait3A_135, %dma_wait3A_136, %dma_wait3A_137, %dma_wait3A_138] : memref<1x64x64x512xf32, #tpu.memory_space<hbm>> -> memref<1x1x1x256xf32, #tpu.memory_space<hbm>>
      %dma_wait3A_140 = tpu.memref_squeeze %dma_wait3A_139 : memref<1x1x1x256xf32, #tpu.memory_space<hbm>> -> memref<256xf32, #tpu.memory_space<hbm>>
      %dma_wait3A_141 = arith.constant 0 : i32
      %dma_wait3A_142 = tpu.memref_slice %arg2[%dma_wait3A_135, %dma_wait3A_136, %dma_wait3A_137, %dma_wait3A_141] : memref<1x64x64x512xf32, #tpu.memory_space<hbm>> -> memref<1x1x1x256xf32, #tpu.memory_space<hbm>>
      %dma_wait3A_143 = tpu.memref_squeeze %dma_wait3A_142 : memref<1x1x1x256xf32, #tpu.memory_space<hbm>> -> memref<256xf32, #tpu.memory_space<hbm>>
      tpu.wait_dma2 semaphore(%arg16 : memref<!tpu.dma_semaphore, #tpu.memory_space<semaphore_mem>>) src(%dma_wait3A_143 : memref<256xf32, #tpu.memory_space<hbm>>) dst(%arg11 : memref<256xf32, #tpu.memory_space<vmem>>)
      %dma_wait3A_144 = arith.constant 0 : i32
      %dma_wait3A_145 = arith.constant 0 : i32
      %dma_wait3A_146 = arith.constant 0 : i32
      %dma_wait3A_147 = arith.constant 0 : i32
      %dma_wait3A_148 = tpu.memref_slice %arg2[%dma_wait3A_144, %dma_wait3A_145, %dma_wait3A_146, %dma_wait3A_147] : memref<1x64x64x512xf32, #tpu.memory_space<hbm>> -> memref<1x1x1x256xf32, #tpu.memory_space<hbm>>
      %dma_wait3A_149 = tpu.memref_squeeze %dma_wait3A_148 : memref<1x1x1x256xf32, #tpu.memory_space<hbm>> -> memref<256xf32, #tpu.memory_space<hbm>>
      %dma_wait3A_150 = arith.constant 0 : i32
      %dma_wait3A_151 = tpu.memref_slice %arg2[%dma_wait3A_144, %dma_wait3A_145, %dma_wait3A_146, %dma_wait3A_150] : memref<1x64x64x512xf32, #tpu.memory_space<hbm>> -> memref<1x1x1x256xf32, #tpu.memory_space<hbm>>
      %dma_wait3A_152 = tpu.memref_squeeze %dma_wait3A_151 : memref<1x1x1x256xf32, #tpu.memory_space<hbm>> -> memref<256xf32, #tpu.memory_space<hbm>>
      tpu.wait_dma2 semaphore(%arg17 : memref<!tpu.dma_semaphore, #tpu.memory_space<semaphore_mem>>) src(%dma_wait3A_152 : memref<256xf32, #tpu.memory_space<hbm>>) dst(%arg12 : memref<256xf32, #tpu.memory_space<vmem>>)
      %dma_wait3A_153 = arith.constant 0 : i32
      %dma_wait3A_154 = arith.constant 0 : i32
      %dma_wait3A_155 = arith.constant 0 : i32
      %dma_wait3A_156 = arith.constant 0 : i32
      %dma_wait3A_157 = tpu.memref_slice %arg2[%dma_wait3A_153, %dma_wait3A_154, %dma_wait3A_155, %dma_wait3A_156] : memref<1x64x64x512xf32, #tpu.memory_space<hbm>> -> memref<1x1x1x256xf32, #tpu.memory_space<hbm>>
      %dma_wait3A_158 = tpu.memref_squeeze %dma_wait3A_157 : memref<1x1x1x256xf32, #tpu.memory_space<hbm>> -> memref<256xf32, #tpu.memory_space<hbm>>
      %dma_wait3A_159 = arith.constant 0 : i32
      %dma_wait3A_160 = tpu.memref_slice %arg2[%dma_wait3A_153, %dma_wait3A_154, %dma_wait3A_155, %dma_wait3A_159] : memref<1x64x64x512xf32, #tpu.memory_space<hbm>> -> memref<1x1x1x256xf32, #tpu.memory_space<hbm>>
      %dma_wait3A_161 = tpu.memref_squeeze %dma_wait3A_160 : memref<1x1x1x256xf32, #tpu.memory_space<hbm>> -> memref<256xf32, #tpu.memory_space<hbm>>
      tpu.wait_dma2 semaphore(%arg18 : memref<!tpu.dma_semaphore, #tpu.memory_space<semaphore_mem>>) src(%dma_wait3A_161 : memref<256xf32, #tpu.memory_space<hbm>>) dst(%arg13 : memref<256xf32, #tpu.memory_space<vmem>>)
      %broadcast_in_dim3A = vector.broadcast %sub3A_70 : f32 to vector<16xf32>
      %broadcast_in_dim3A_162 = vector.broadcast %sub3A_52 : f32 to vector<16xf32>
      %scan3A = arith.constant 0 : i32
      %scan3A_163 = arith.constant 16 : i32
      %scan3A_164 = arith.addi %scan3A, %scan3A_163 : i32
      %scan3A_165 = arith.constant 1 : i32
      scf.for %scan3A_167 = %scan3A to %scan3A_164 step %scan3A_165  : i32 {
        %mul3A_168 = arith.constant 16 : i32
        %mul3A_169 = arith.muli %scan3A_167, %mul3A_168 : i32
        %add3A_170 = arith.constant 0 : i32
        %add3A_171 = arith.addi %add3A_170, %mul3A_169 : i32
        %get3A_172 = arith.index_cast %add3A_171 : i32 to index
        %get3A_173 = tpu.vector_load %arg10[%get3A_172] {strides = array<i32>} : memref<256xf32, #tpu.memory_space<vmem>>, vector<16xf32>,
        %get3A_174 = vector.shape_cast %get3A_173 : vector<16xf32> to vector<16xf32>
        %sub3A_175 = arith.constant 1.000000e+00 : f32
        %sub3A_176 = vector.broadcast %sub3A_175 : f32 to vector<16xf32>
        %sub3A_177 = arith.subf %sub3A_176, %broadcast_in_dim3A : vector<16xf32>
        %mul3A_178 = arith.mulf %get3A_174, %sub3A_177 : vector<16xf32>
        %get3A_179 = arith.index_cast %add3A_171 : i32 to index
        %get3A_180 = tpu.vector_load %arg11[%get3A_179] {strides = array<i32>} : memref<256xf32, #tpu.memory_space<vmem>>, vector<16xf32>,
        %get3A_181 = vector.shape_cast %get3A_180 : vector<16xf32> to vector<16xf32>
        %mul3A_182 = arith.mulf %get3A_181, %broadcast_in_dim3A : vector<16xf32>
        %add3A_183 = arith.addf %mul3A_178, %mul3A_182 : vector<16xf32>
        %get3A_184 = arith.index_cast %add3A_171 : i32 to index
        %get3A_185 = tpu.vector_load %arg12[%get3A_184] {strides = array<i32>} : memref<256xf32, #tpu.memory_space<vmem>>, vector<16xf32>,
        %get3A_186 = vector.shape_cast %get3A_185 : vector<16xf32> to vector<16xf32>
        %sub3A_187 = arith.constant 1.000000e+00 : f32
        %sub3A_188 = vector.broadcast %sub3A_187 : f32 to vector<16xf32>
        %sub3A_189 = arith.subf %sub3A_188, %broadcast_in_dim3A : vector<16xf32>
        %mul3A_190 = arith.mulf %get3A_186, %sub3A_189 : vector<16xf32>
        %get3A_191 = arith.index_cast %add3A_171 : i32 to index
        %get3A_192 = tpu.vector_load %arg13[%get3A_191] {strides = array<i32>} : memref<256xf32, #tpu.memory_space<vmem>>, vector<16xf32>,
        %get3A_193 = vector.shape_cast %get3A_192 : vector<16xf32> to vector<16xf32>
        %mul3A_194 = arith.mulf %get3A_193, %broadcast_in_dim3A : vector<16xf32>
        %add3A_195 = arith.addf %mul3A_190, %mul3A_194 : vector<16xf32>
        %sub3A_196 = arith.constant 1.000000e+00 : f32
        %sub3A_197 = vector.broadcast %sub3A_196 : f32 to vector<16xf32>
        %sub3A_198 = arith.subf %sub3A_197, %broadcast_in_dim3A_162 : vector<16xf32>
        %mul3A_199 = arith.mulf %add3A_183, %sub3A_198 : vector<16xf32>
        %mul3A_200 = arith.mulf %add3A_195, %broadcast_in_dim3A_162 : vector<16xf32>
        %add3A_201 = arith.addf %mul3A_199, %mul3A_200 : vector<16xf32>
        %swap3A = arith.index_cast %add3A_171 : i32 to index
        %swap3A_202 = tpu.vector_load %arg14[%swap3A] {strides = array<i32>} : memref<256xf32, #tpu.memory_space<vmem>>, vector<16xf32>,
        %swap3A_203 = vector.shape_cast %swap3A_202 : vector<16xf32> to vector<16xf32>
        %swap3A_204 = vector.shape_cast %add3A_201 : vector<16xf32> to vector<16xf32>
        tpu.vector_store %arg14[%swap3A], %swap3A_204 {strides = array<i32>} : memref<256xf32, #tpu.memory_space<vmem>>, vector<16xf32>,
      }
      %scan3A_166 = arith.constant 16 : i32
    } else {
    }
    %ge3A_103 = arith.constant 0 : i32
    %ge3A_104 = arith.cmpi sge, %add3A, %ge3A_103 : i32
    %lt3A_105 = arith.constant 2 : i32
    %lt3A_106 = arith.cmpi slt, %add3A, %lt3A_105 : i32
    %and3A_107 = arith.andi %ge3A_104, %lt3A_106 : i1
    %convert_element_type3A_108 = arith.extui %and3A_107 : i1 to i32
    %cond3A_109 = arith.constant 0 : i32
    %cond3A_110 = arith.cmpi ne, %convert_element_type3A_108, %cond3A_109 : i32
    scf.if %cond3A_110 {
      "tpu.region"() ({
        %run_scoped3A_127 = tpu.sem_alloc : memref<!tpu.dma_semaphore, #tpu.memory_space<semaphore_mem>>
        %dma_start3A = tpu.memref_slice %arg6[%multiple_of3A] : memref<512xf32, #tpu.memory_space<hbm>> -> memref<256xf32, #tpu.memory_space<hbm>>
        %dma_start3A_128 = tpu.memref_slice %arg6[%multiple_of3A] : memref<512xf32, #tpu.memory_space<hbm>> -> memref<256xf32, #tpu.memory_space<hbm>>
        tpu.enqueue_dma source(%arg14 : memref<256xf32, #tpu.memory_space<vmem>>) target(%dma_start3A_128 : memref<256xf32, #tpu.memory_space<hbm>>) target_semaphore(%run_scoped3A_127 : memref<!tpu.dma_semaphore, #tpu.memory_space<semaphore_mem>>)
        %dma_wait3A = tpu.memref_slice %arg6[%multiple_of3A] : memref<512xf32, #tpu.memory_space<hbm>> -> memref<256xf32, #tpu.memory_space<hbm>>
        %dma_wait3A_129 = tpu.memref_slice %arg6[%multiple_of3A] : memref<512xf32, #tpu.memory_space<hbm>> -> memref<256xf32, #tpu.memory_space<hbm>>
        tpu.wait_dma2 semaphore(%run_scoped3A_127 : memref<!tpu.dma_semaphore, #tpu.memory_space<semaphore_mem>>) src(%arg14 : memref<256xf32, #tpu.memory_space<vmem>>) dst(%dma_wait3A_129 : memref<256xf32, #tpu.memory_space<hbm>>)
        tpu.yield
      }) : () -> ()
    } else {
    }
    %ge3A_111 = arith.constant 2 : i32
    %ge3A_112 = arith.cmpi sge, %add3A, %ge3A_111 : i32
    %lt3A_113 = arith.constant 6 : i32
    %lt3A_114 = arith.cmpi slt, %add3A, %lt3A_113 : i32
    %and3A_115 = arith.andi %ge3A_112, %lt3A_114 : i1
    %convert_element_type3A_116 = arith.extui %and3A_115 : i1 to i32
    %cond3A_117 = arith.constant 0 : i32
    %cond3A_118 = arith.cmpi ne, %convert_element_type3A_116, %cond3A_117 : i32
    scf.if %cond3A_118 {
      "tpu.region"() ({
        %run_scoped3A_127 = tpu.sem_alloc : memref<!tpu.dma_semaphore, #tpu.memory_space<semaphore_mem>>
        %dma_start3A = tpu.memref_slice %arg7[%multiple_of3A] : memref<1024xf32, #tpu.memory_space<hbm>> -> memref<256xf32, #tpu.memory_space<hbm>>
        %dma_start3A_128 = tpu.memref_slice %arg7[%multiple_of3A] : memref<1024xf32, #tpu.memory_space<hbm>> -> memref<256xf32, #tpu.memory_space<hbm>>
        tpu.enqueue_dma source(%arg14 : memref<256xf32, #tpu.memory_space<vmem>>) target(%dma_start3A_128 : memref<256xf32, #tpu.memory_space<hbm>>) target_semaphore(%run_scoped3A_127 : memref<!tpu.dma_semaphore, #tpu.memory_space<semaphore_mem>>)
        %dma_wait3A = tpu.memref_slice %arg7[%multiple_of3A] : memref<1024xf32, #tpu.memory_space<hbm>> -> memref<256xf32, #tpu.memory_space<hbm>>
        %dma_wait3A_129 = tpu.memref_slice %arg7[%multiple_of3A] : memref<1024xf32, #tpu.memory_space<hbm>> -> memref<256xf32, #tpu.memory_space<hbm>>
        tpu.wait_dma2 semaphore(%run_scoped3A_127 : memref<!tpu.dma_semaphore, #tpu.memory_space<semaphore_mem>>) src(%arg14 : memref<256xf32, #tpu.memory_space<vmem>>) dst(%dma_wait3A_129 : memref<256xf32, #tpu.memory_space<hbm>>)
        tpu.yield
      }) : () -> ()
    } else {
    }
    %ge3A_119 = arith.constant 6 : i32
    %ge3A_120 = arith.cmpi sge, %add3A, %ge3A_119 : i32
    %lt3A_121 = arith.constant 14 : i32
    %lt3A_122 = arith.cmpi slt, %add3A, %lt3A_121 : i32
    %and3A_123 = arith.andi %ge3A_120, %lt3A_122 : i1
    %convert_element_type3A_124 = arith.extui %and3A_123 : i1 to i32
    %cond3A_125 = arith.constant 0 : i32
    %cond3A_126 = arith.cmpi ne, %convert_element_type3A_124, %cond3A_125 : i32
    scf.if %cond3A_126 {
      "tpu.region"() ({
        %run_scoped3A_127 = tpu.sem_alloc : memref<!tpu.dma_semaphore, #tpu.memory_space<semaphore_mem>>
        %dma_start3A = tpu.memref_slice %arg8[%multiple_of3A] : memref<2048xf32, #tpu.memory_space<hbm>> -> memref<256xf32, #tpu.memory_space<hbm>>
        %dma_start3A_128 = tpu.memref_slice %arg8[%multiple_of3A] : memref<2048xf32, #tpu.memory_space<hbm>> -> memref<256xf32, #tpu.memory_space<hbm>>
        tpu.enqueue_dma source(%arg14 : memref<256xf32, #tpu.memory_space<vmem>>) target(%dma_start3A_128 : memref<256xf32, #tpu.memory_space<hbm>>) target_semaphore(%run_scoped3A_127 : memref<!tpu.dma_semaphore, #tpu.memory_space<semaphore_mem>>)
        %dma_wait3A = tpu.memref_slice %arg8[%multiple_of3A] : memref<2048xf32, #tpu.memory_space<hbm>> -> memref<256xf32, #tpu.memory_space<hbm>>
        %dma_wait3A_129 = tpu.memref_slice %arg8[%multiple_of3A] : memref<2048xf32, #tpu.memory_space<hbm>> -> memref<256xf32, #tpu.memory_space<hbm>>
        tpu.wait_dma2 semaphore(%run_scoped3A_127 : memref<!tpu.dma_semaphore, #tpu.memory_space<semaphore_mem>>) src(%arg14 : memref<256xf32, #tpu.memory_space<vmem>>) dst(%dma_wait3A_129 : memref<256xf32, #tpu.memory_space<hbm>>)
        tpu.yield
      }) : () -> ()
    } else {
    }
    return
  }
}

module attributes {stable_mosaic.version = 14 : i64} {
  func.func @_tc_body(%arg0: memref<1x4xf32, #tpu.memory_space<smem>>, %arg1: memref<1x256x128x128xf32, #tpu.memory_space<hbm>>, %arg2: memref<1x64x256x256xf32, #tpu.memory_space<hbm>>, %arg3: memref<256xf32, #tpu.memory_space<vmem>>, %arg4: memref<2x2x64xf32, #tpu.memory_space<vmem>>, %arg5: memref<256x16x128xf32, #tpu.memory_space<vmem>>, %arg6: memref<64x16x256xf32, #tpu.memory_space<vmem>>, %arg7: memref<64x16x256xf32, #tpu.memory_space<vmem>>, %arg8: memref<!tpu.dma_semaphore, #tpu.memory_space<semaphore_mem>>, %arg9: memref<!tpu.dma_semaphore, #tpu.memory_space<semaphore_mem>>, %arg10: memref<!tpu.dma_semaphore, #tpu.memory_space<semaphore_mem>>) attributes {dimension_semantics = [], scalar_prefetch = 0 : i64, scratch_operands = 6 : i64, tpu.core_type = #tpu.core_type<tc>} {
    %get3A = arith.constant 0 : index
    %get3A_0 = arith.constant 0 : index
    %get3A_1 = memref.load %arg0[%get3A, %get3A_0] : memref<1x4xf32, #tpu.memory_space<smem>>
    %get3A_2 = arith.constant 0 : index
    %get3A_3 = arith.constant 1 : index
    %get3A_4 = memref.load %arg0[%get3A_2, %get3A_3] : memref<1x4xf32, #tpu.memory_space<smem>>
    %get3A_5 = arith.constant 0 : index
    %get3A_6 = arith.constant 2 : index
    %get3A_7 = memref.load %arg0[%get3A_5, %get3A_6] : memref<1x4xf32, #tpu.memory_space<smem>>
    %get3A_8 = arith.constant 0 : index
    %get3A_9 = arith.constant 3 : index
    %get3A_10 = memref.load %arg0[%get3A_8, %get3A_9] : memref<1x4xf32, #tpu.memory_space<smem>>
    %add3A = arith.addf %get3A_4, %get3A_10 : f32
    %mul3A = arith.constant 5.000000e-01 : f32
    %mul3A_11 = arith.mulf %add3A, %mul3A : f32
    %mul3A_12 = arith.constant 2.500000e-01 : f32
    %mul3A_13 = arith.mulf %mul3A_11, %mul3A_12 : f32
    %jit3A = arith.constant 0.000000e+00 : f32
    %jit3A_14 = arith.constant 1.270000e+02 : f32
    %max3A = arith.maximumf %jit3A, %mul3A_13 : f32
    %min3A = arith.minimumf %jit3A_14, %max3A : f32
    %convert_element_type3A = arith.fptosi %min3A : f32 to i32
    %convert_element_type3A_15 = arith.sitofp %convert_element_type3A : i32 to f32
    %sub3A = arith.subf %min3A, %convert_element_type3A_15 : f32
    %add3A_16 = arith.constant 1 : i32
    %add3A_17 = arith.addi %convert_element_type3A, %add3A_16 : i32
    %min3A_18 = arith.constant 127 : i32
    %min3A_19 = arith.minsi %add3A_17, %min3A_18 : i32
    %add3A_20 = arith.addf %get3A_1, %get3A_7 : f32
    %mul3A_21 = arith.constant 5.000000e-01 : f32
    %mul3A_22 = arith.mulf %add3A_20, %mul3A_21 : f32
    %mul3A_23 = arith.constant 2.500000e-01 : f32
    %mul3A_24 = arith.mulf %mul3A_22, %mul3A_23 : f32
    %jit3A_25 = arith.constant 0.000000e+00 : f32
    %jit3A_26 = arith.constant 1.270000e+02 : f32
    %max3A_27 = arith.maximumf %jit3A_25, %mul3A_24 : f32
    %min3A_28 = arith.minimumf %jit3A_26, %max3A_27 : f32
    %convert_element_type3A_29 = arith.fptosi %min3A_28 : f32 to i32
    %convert_element_type3A_30 = arith.sitofp %convert_element_type3A_29 : i32 to f32
    %sub3A_31 = arith.subf %min3A_28, %convert_element_type3A_30 : f32
    %add3A_32 = arith.constant 1 : i32
    %add3A_33 = arith.addi %convert_element_type3A_29, %add3A_32 : i32
    %min3A_34 = arith.constant 127 : i32
    %min3A_35 = arith.minsi %add3A_33, %min3A_34 : i32
    %jit3A_36 = arith.constant 8 : i32
    %div3A = arith.divsi %convert_element_type3A, %jit3A_36 : i32
    %sign3A = arith.constant 0 : i32
    %sign3A_37 = arith.cmpi sgt, %convert_element_type3A, %sign3A : i32
    %sign3A_38 = arith.extui %sign3A_37 : i1 to i32
    %sign3A_39 = arith.constant 0 : i32
    %sign3A_40 = arith.cmpi slt, %convert_element_type3A, %sign3A_39 : i32
    %sign3A_41 = arith.extui %sign3A_40 : i1 to i32
    %sign3A_42 = arith.subi %sign3A_38, %sign3A_41 : i32
    %sign3A_43 = arith.constant 0 : i32
    %sign3A_44 = arith.cmpi sgt, %jit3A_36, %sign3A_43 : i32
    %sign3A_45 = arith.extui %sign3A_44 : i1 to i32
    %sign3A_46 = arith.constant 0 : i32
    %sign3A_47 = arith.cmpi slt, %jit3A_36, %sign3A_46 : i32
    %sign3A_48 = arith.extui %sign3A_47 : i1 to i32
    %sign3A_49 = arith.subi %sign3A_45, %sign3A_48 : i32
    %ne3A = arith.cmpi ne, %sign3A_42, %sign3A_49 : i32
    %rem3A = arith.remsi %convert_element_type3A, %jit3A_36 : i32
    %ne3A_50 = arith.constant 0 : i32
    %ne3A_51 = arith.cmpi ne, %rem3A, %ne3A_50 : i32
    %and3A = arith.andi %ne3A, %ne3A_51 : i1
    %sub3A_52 = arith.constant 1 : i32
    %sub3A_53 = arith.subi %div3A, %sub3A_52 : i32
    %select_n3A = arith.select %and3A, %sub3A_53, %div3A : i32
    %mul3A_54 = arith.constant 8 : i32
    %mul3A_55 = arith.muli %select_n3A, %mul3A_54 : i32
    %min3A_56 = arith.constant 112 : i32
    %min3A_57 = arith.minsi %mul3A_55, %min3A_56 : i32
    %dma_start3A = arith.constant 0 : i32
    %dma_start3A_58 = arith.constant 0 : i32
    %dma_start3A_59 = arith.constant 0 : i32
    %dma_start3A_60 = tpu.memref_slice %arg1[%dma_start3A, %dma_start3A_58, %min3A_57, %dma_start3A_59] : memref<1x256x128x128xf32, #tpu.memory_space<hbm>> -> memref<1x256x16x128xf32, #tpu.memory_space<hbm>>
    %dma_start3A_61 = tpu.memref_squeeze %dma_start3A_60 : memref<1x256x16x128xf32, #tpu.memory_space<hbm>> -> memref<256x16x128xf32, #tpu.memory_space<hbm>>
    tpu.enqueue_dma source(%dma_start3A_61 : memref<256x16x128xf32, #tpu.memory_space<hbm>>) target(%arg5 : memref<256x16x128xf32, #tpu.memory_space<vmem>>) target_semaphore(%arg8 : memref<!tpu.dma_semaphore, #tpu.memory_space<semaphore_mem>>)
    %sub3A_62 = arith.subf %get3A_10, %get3A_4 : f32
    %mul3A_63 = arith.constant 0.000000e+00 : f32
    %mul3A_64 = arith.mulf %sub3A_62, %mul3A_63 : f32
    %add3A_65 = arith.addf %get3A_4, %mul3A_64 : f32
    %mul3A_66 = arith.constant 5.000000e-01 : f32
    %mul3A_67 = arith.mulf %add3A_65, %mul3A_66 : f32
    %jit3A_68 = arith.constant 0.000000e+00 : f32
    %jit3A_69 = arith.constant 2.550000e+02 : f32
    %max3A_70 = arith.maximumf %jit3A_68, %mul3A_67 : f32
    %min3A_71 = arith.minimumf %jit3A_69, %max3A_70 : f32
    %convert_element_type3A_72 = arith.fptosi %min3A_71 : f32 to i32
    %convert_element_type3A_73 = arith.sitofp %convert_element_type3A_72 : i32 to f32
    %sub3A_74 = arith.subf %min3A_71, %convert_element_type3A_73 : f32
    %add3A_75 = arith.constant 1 : i32
    %add3A_76 = arith.addi %convert_element_type3A_72, %add3A_75 : i32
    %min3A_77 = arith.constant 255 : i32
    %min3A_78 = arith.minsi %add3A_76, %min3A_77 : i32
    %jit3A_79 = arith.constant 8 : i32
    %div3A_80 = arith.divsi %convert_element_type3A_72, %jit3A_79 : i32
    %sign3A_81 = arith.constant 0 : i32
    %sign3A_82 = arith.cmpi sgt, %convert_element_type3A_72, %sign3A_81 : i32
    %sign3A_83 = arith.extui %sign3A_82 : i1 to i32
    %sign3A_84 = arith.constant 0 : i32
    %sign3A_85 = arith.cmpi slt, %convert_element_type3A_72, %sign3A_84 : i32
    %sign3A_86 = arith.extui %sign3A_85 : i1 to i32
    %sign3A_87 = arith.subi %sign3A_83, %sign3A_86 : i32
    %sign3A_88 = arith.constant 0 : i32
    %sign3A_89 = arith.cmpi sgt, %jit3A_79, %sign3A_88 : i32
    %sign3A_90 = arith.extui %sign3A_89 : i1 to i32
    %sign3A_91 = arith.constant 0 : i32
    %sign3A_92 = arith.cmpi slt, %jit3A_79, %sign3A_91 : i32
    %sign3A_93 = arith.extui %sign3A_92 : i1 to i32
    %sign3A_94 = arith.subi %sign3A_90, %sign3A_93 : i32
    %ne3A_95 = arith.cmpi ne, %sign3A_87, %sign3A_94 : i32
    %rem3A_96 = arith.remsi %convert_element_type3A_72, %jit3A_79 : i32
    %ne3A_97 = arith.constant 0 : i32
    %ne3A_98 = arith.cmpi ne, %rem3A_96, %ne3A_97 : i32
    %and3A_99 = arith.andi %ne3A_95, %ne3A_98 : i1
    %sub3A_100 = arith.constant 1 : i32
    %sub3A_101 = arith.subi %div3A_80, %sub3A_100 : i32
    %select_n3A_102 = arith.select %and3A_99, %sub3A_101, %div3A_80 : i32
    %mul3A_103 = arith.constant 8 : i32
    %mul3A_104 = arith.muli %select_n3A_102, %mul3A_103 : i32
    %min3A_105 = arith.constant 240 : i32
    %min3A_106 = arith.minsi %mul3A_104, %min3A_105 : i32
    %sub3A_107 = arith.subf %get3A_10, %get3A_4 : f32
    %mul3A_108 = arith.constant 1.000000e+00 : f32
    %mul3A_109 = arith.mulf %sub3A_107, %mul3A_108 : f32
    %add3A_110 = arith.addf %get3A_4, %mul3A_109 : f32
    %mul3A_111 = arith.constant 5.000000e-01 : f32
    %mul3A_112 = arith.mulf %add3A_110, %mul3A_111 : f32
    %jit3A_113 = arith.constant 0.000000e+00 : f32
    %jit3A_114 = arith.constant 2.550000e+02 : f32
    %max3A_115 = arith.maximumf %jit3A_113, %mul3A_112 : f32
    %min3A_116 = arith.minimumf %jit3A_114, %max3A_115 : f32
    %convert_element_type3A_117 = arith.fptosi %min3A_116 : f32 to i32
    %convert_element_type3A_118 = arith.sitofp %convert_element_type3A_117 : i32 to f32
    %sub3A_119 = arith.subf %min3A_116, %convert_element_type3A_118 : f32
    %add3A_120 = arith.constant 1 : i32
    %add3A_121 = arith.addi %convert_element_type3A_117, %add3A_120 : i32
    %min3A_122 = arith.constant 255 : i32
    %min3A_123 = arith.minsi %add3A_121, %min3A_122 : i32
    %jit3A_124 = arith.constant 8 : i32
    %div3A_125 = arith.divsi %convert_element_type3A_117, %jit3A_124 : i32
    %sign3A_126 = arith.constant 0 : i32
    %sign3A_127 = arith.cmpi sgt, %convert_element_type3A_117, %sign3A_126 : i32
    %sign3A_128 = arith.extui %sign3A_127 : i1 to i32
    %sign3A_129 = arith.constant 0 : i32
    %sign3A_130 = arith.cmpi slt, %convert_element_type3A_117, %sign3A_129 : i32
    %sign3A_131 = arith.extui %sign3A_130 : i1 to i32
    %sign3A_132 = arith.subi %sign3A_128, %sign3A_131 : i32
    %sign3A_133 = arith.constant 0 : i32
    %sign3A_134 = arith.cmpi sgt, %jit3A_124, %sign3A_133 : i32
    %sign3A_135 = arith.extui %sign3A_134 : i1 to i32
    %sign3A_136 = arith.constant 0 : i32
    %sign3A_137 = arith.cmpi slt, %jit3A_124, %sign3A_136 : i32
    %sign3A_138 = arith.extui %sign3A_137 : i1 to i32
    %sign3A_139 = arith.subi %sign3A_135, %sign3A_138 : i32
    %ne3A_140 = arith.cmpi ne, %sign3A_132, %sign3A_139 : i32
    %rem3A_141 = arith.remsi %convert_element_type3A_117, %jit3A_124 : i32
    %ne3A_142 = arith.constant 0 : i32
    %ne3A_143 = arith.cmpi ne, %rem3A_141, %ne3A_142 : i32
    %and3A_144 = arith.andi %ne3A_140, %ne3A_143 : i1
    %sub3A_145 = arith.constant 1 : i32
    %sub3A_146 = arith.subi %div3A_125, %sub3A_145 : i32
    %select_n3A_147 = arith.select %and3A_144, %sub3A_146, %div3A_125 : i32
    %mul3A_148 = arith.constant 8 : i32
    %mul3A_149 = arith.muli %select_n3A_147, %mul3A_148 : i32
    %min3A_150 = arith.constant 240 : i32
    %min3A_151 = arith.minsi %mul3A_149, %min3A_150 : i32
    %sub3A_152 = arith.subf %get3A_7, %get3A_1 : f32
    %mul3A_153 = arith.constant 0.000000e+00 : f32
    %mul3A_154 = arith.mulf %sub3A_152, %mul3A_153 : f32
    %add3A_155 = arith.addf %get3A_1, %mul3A_154 : f32
    %mul3A_156 = arith.constant 5.000000e-01 : f32
    %mul3A_157 = arith.mulf %add3A_155, %mul3A_156 : f32
    %jit3A_158 = arith.constant 0.000000e+00 : f32
    %jit3A_159 = arith.constant 2.550000e+02 : f32
    %max3A_160 = arith.maximumf %jit3A_158, %mul3A_157 : f32
    %min3A_161 = arith.minimumf %jit3A_159, %max3A_160 : f32
    %convert_element_type3A_162 = arith.fptosi %min3A_161 : f32 to i32
    %convert_element_type3A_163 = arith.sitofp %convert_element_type3A_162 : i32 to f32
    %sub3A_164 = arith.subf %min3A_161, %convert_element_type3A_163 : f32
    %add3A_165 = arith.constant 1 : i32
    %add3A_166 = arith.addi %convert_element_type3A_162, %add3A_165 : i32
    %min3A_167 = arith.constant 255 : i32
    %min3A_168 = arith.minsi %add3A_166, %min3A_167 : i32
    %sub3A_169 = arith.subf %get3A_7, %get3A_1 : f32
    %mul3A_170 = arith.constant 1.000000e+00 : f32
    %mul3A_171 = arith.mulf %sub3A_169, %mul3A_170 : f32
    %add3A_172 = arith.addf %get3A_1, %mul3A_171 : f32
    %mul3A_173 = arith.constant 5.000000e-01 : f32
    %mul3A_174 = arith.mulf %add3A_172, %mul3A_173 : f32
    %jit3A_175 = arith.constant 0.000000e+00 : f32
    %jit3A_176 = arith.constant 2.550000e+02 : f32
    %max3A_177 = arith.maximumf %jit3A_175, %mul3A_174 : f32
    %min3A_178 = arith.minimumf %jit3A_176, %max3A_177 : f32
    %convert_element_type3A_179 = arith.fptosi %min3A_178 : f32 to i32
    %convert_element_type3A_180 = arith.sitofp %convert_element_type3A_179 : i32 to f32
    %sub3A_181 = arith.subf %min3A_178, %convert_element_type3A_180 : f32
    %add3A_182 = arith.constant 1 : i32
    %add3A_183 = arith.addi %convert_element_type3A_179, %add3A_182 : i32
    %min3A_184 = arith.constant 255 : i32
    %min3A_185 = arith.minsi %add3A_183, %min3A_184 : i32
    %dma_start3A_186 = arith.constant 0 : i32
    %dma_start3A_187 = arith.constant 0 : i32
    %dma_start3A_188 = arith.constant 0 : i32
    %dma_start3A_189 = tpu.memref_slice %arg2[%dma_start3A_186, %dma_start3A_187, %min3A_106, %dma_start3A_188] : memref<1x64x256x256xf32, #tpu.memory_space<hbm>> -> memref<1x64x16x256xf32, #tpu.memory_space<hbm>>
    %dma_start3A_190 = tpu.memref_squeeze %dma_start3A_189 : memref<1x64x16x256xf32, #tpu.memory_space<hbm>> -> memref<64x16x256xf32, #tpu.memory_space<hbm>>
    tpu.enqueue_dma source(%dma_start3A_190 : memref<64x16x256xf32, #tpu.memory_space<hbm>>) target(%arg6 : memref<64x16x256xf32, #tpu.memory_space<vmem>>) target_semaphore(%arg9 : memref<!tpu.dma_semaphore, #tpu.memory_space<semaphore_mem>>)
    %dma_start3A_191 = arith.constant 0 : i32
    %dma_start3A_192 = arith.constant 0 : i32
    %dma_start3A_193 = arith.constant 0 : i32
    %dma_start3A_194 = tpu.memref_slice %arg2[%dma_start3A_191, %dma_start3A_192, %min3A_151, %dma_start3A_193] : memref<1x64x256x256xf32, #tpu.memory_space<hbm>> -> memref<1x64x16x256xf32, #tpu.memory_space<hbm>>
    %dma_start3A_195 = tpu.memref_squeeze %dma_start3A_194 : memref<1x64x16x256xf32, #tpu.memory_space<hbm>> -> memref<64x16x256xf32, #tpu.memory_space<hbm>>
    tpu.enqueue_dma source(%dma_start3A_195 : memref<64x16x256xf32, #tpu.memory_space<hbm>>) target(%arg7 : memref<64x16x256xf32, #tpu.memory_space<vmem>>) target_semaphore(%arg10 : memref<!tpu.dma_semaphore, #tpu.memory_space<semaphore_mem>>)
    %dma_wait3A = arith.constant 0 : i32
    %dma_wait3A_196 = arith.constant 0 : i32
    %dma_wait3A_197 = arith.constant 0 : i32
    %dma_wait3A_198 = tpu.memref_slice %arg1[%dma_wait3A, %dma_wait3A_196, %min3A_57, %dma_wait3A_197] : memref<1x256x128x128xf32, #tpu.memory_space<hbm>> -> memref<1x256x16x128xf32, #tpu.memory_space<hbm>>
    %dma_wait3A_199 = tpu.memref_squeeze %dma_wait3A_198 : memref<1x256x16x128xf32, #tpu.memory_space<hbm>> -> memref<256x16x128xf32, #tpu.memory_space<hbm>>
    tpu.wait_dma2 semaphore(%arg8 : memref<!tpu.dma_semaphore, #tpu.memory_space<semaphore_mem>>) src(%dma_wait3A_199 : memref<256x16x128xf32, #tpu.memory_space<hbm>>) dst(%arg5 : memref<256x16x128xf32, #tpu.memory_space<vmem>>)
    %iota3A = tpu.iota {dimensions = array<i32: 1>} : vector<16x128xi32>
    %iota3A_200 = tpu.iota {dimensions = array<i32: 0>} : vector<16x128xi32>
    %add3A_201 = vector.broadcast %min3A_57 : i32 to vector<16x128xi32>
    %add3A_202 = arith.addi %iota3A_200, %add3A_201 : vector<16x128xi32>
    %eq3A = vector.broadcast %convert_element_type3A_29 : i32 to vector<16x128xi32>
    %eq3A_203 = arith.cmpi eq, %iota3A, %eq3A : vector<16x128xi32>
    %sub3A_204 = arith.constant 1.000000e+00 : f32
    %sub3A_205 = arith.subf %sub3A_204, %sub3A_31 : f32
    %jit3A_206 = arith.constant 0.000000e+00 : f32
    %broadcast_in_dim3A = vector.broadcast %sub3A_205 : f32 to vector<16x128xf32>
    %broadcast_in_dim3A_207 = vector.broadcast %jit3A_206 : f32 to vector<16x128xf32>
    %select_n3A_208 = arith.select %eq3A_203, %broadcast_in_dim3A, %broadcast_in_dim3A_207 : vector<16x128xi1>, vector<16x128xf32>
    %eq3A_209 = vector.broadcast %min3A_35 : i32 to vector<16x128xi32>
    %eq3A_210 = arith.cmpi eq, %iota3A, %eq3A_209 : vector<16x128xi32>
    %jit3A_211 = arith.constant 0.000000e+00 : f32
    %broadcast_in_dim3A_212 = vector.broadcast %sub3A_31 : f32 to vector<16x128xf32>
    %broadcast_in_dim3A_213 = vector.broadcast %jit3A_211 : f32 to vector<16x128xf32>
    %select_n3A_214 = arith.select %eq3A_210, %broadcast_in_dim3A_212, %broadcast_in_dim3A_213 : vector<16x128xi1>, vector<16x128xf32>
    %add3A_215 = arith.addf %select_n3A_208, %select_n3A_214 : vector<16x128xf32>
    %eq3A_216 = vector.broadcast %convert_element_type3A : i32 to vector<16x128xi32>
    %eq3A_217 = arith.cmpi eq, %add3A_202, %eq3A_216 : vector<16x128xi32>
    %sub3A_218 = arith.constant 1.000000e+00 : f32
    %sub3A_219 = arith.subf %sub3A_218, %sub3A : f32
    %jit3A_220 = arith.constant 0.000000e+00 : f32
    %broadcast_in_dim3A_221 = vector.broadcast %sub3A_219 : f32 to vector<16x128xf32>
    %broadcast_in_dim3A_222 = vector.broadcast %jit3A_220 : f32 to vector<16x128xf32>
    %select_n3A_223 = arith.select %eq3A_217, %broadcast_in_dim3A_221, %broadcast_in_dim3A_222 : vector<16x128xi1>, vector<16x128xf32>
    %eq3A_224 = vector.broadcast %min3A_19 : i32 to vector<16x128xi32>
    %eq3A_225 = arith.cmpi eq, %add3A_202, %eq3A_224 : vector<16x128xi32>
    %jit3A_226 = arith.constant 0.000000e+00 : f32
    %broadcast_in_dim3A_227 = vector.broadcast %sub3A : f32 to vector<16x128xf32>
    %broadcast_in_dim3A_228 = vector.broadcast %jit3A_226 : f32 to vector<16x128xf32>
    %select_n3A_229 = arith.select %eq3A_225, %broadcast_in_dim3A_227, %broadcast_in_dim3A_228 : vector<16x128xi1>, vector<16x128xf32>
    %add3A_230 = arith.addf %select_n3A_223, %select_n3A_229 : vector<16x128xf32>
    %mul3A_231 = arith.mulf %add3A_215, %add3A_230 : vector<16x128xf32>
    %get3A_232 = arith.constant 0 : index
    %get3A_233 = arith.constant 0 : index
    %get3A_234 = arith.constant 0 : index
    %get3A_235 = vector.load %arg5[%get3A_232, %get3A_233, %get3A_234] : memref<256x16x128xf32, #tpu.memory_space<vmem>>, vector<256x16x128xf32>
    %broadcast_in_dim3A_236 = vector.shape_cast %mul3A_231 : vector<16x128xf32> to vector<1x16x128xf32>
    %mul3A_237 = vector.broadcast %broadcast_in_dim3A_236 : vector<1x16x128xf32> to vector<256x16x128xf32>
    %mul3A_238 = arith.mulf %get3A_235, %mul3A_237 : vector<256x16x128xf32>
    %reduce_sum3A = arith.constant dense<0.000000e+00> : vector<256xf32>
    %reduce_sum3A_239 = vector.multi_reduction <add>, %mul3A_238, %reduce_sum3A [1, 2] : vector<256x16x128xf32> to vector<256xf32>
    %swap3A = arith.constant 0 : index
    %swap3A_240 = vector.load %arg3[%swap3A] : memref<256xf32, #tpu.memory_space<vmem>>, vector<256xf32>
    tpu.vector_store %arg3[%swap3A], %reduce_sum3A_239 {strides = array<i32>} : memref<256xf32, #tpu.memory_space<vmem>>, vector<256xf32>,
    %dma_wait3A_241 = arith.constant 0 : i32
    %dma_wait3A_242 = arith.constant 0 : i32
    %dma_wait3A_243 = arith.constant 0 : i32
    %dma_wait3A_244 = tpu.memref_slice %arg2[%dma_wait3A_241, %dma_wait3A_242, %min3A_106, %dma_wait3A_243] : memref<1x64x256x256xf32, #tpu.memory_space<hbm>> -> memref<1x64x16x256xf32, #tpu.memory_space<hbm>>
    %dma_wait3A_245 = tpu.memref_squeeze %dma_wait3A_244 : memref<1x64x16x256xf32, #tpu.memory_space<hbm>> -> memref<64x16x256xf32, #tpu.memory_space<hbm>>
    tpu.wait_dma2 semaphore(%arg9 : memref<!tpu.dma_semaphore, #tpu.memory_space<semaphore_mem>>) src(%dma_wait3A_245 : memref<64x16x256xf32, #tpu.memory_space<hbm>>) dst(%arg6 : memref<64x16x256xf32, #tpu.memory_space<vmem>>)
    %dma_wait3A_246 = arith.constant 0 : i32
    %dma_wait3A_247 = arith.constant 0 : i32
    %dma_wait3A_248 = arith.constant 0 : i32
    %dma_wait3A_249 = tpu.memref_slice %arg2[%dma_wait3A_246, %dma_wait3A_247, %min3A_151, %dma_wait3A_248] : memref<1x64x256x256xf32, #tpu.memory_space<hbm>> -> memref<1x64x16x256xf32, #tpu.memory_space<hbm>>
    %dma_wait3A_250 = tpu.memref_squeeze %dma_wait3A_249 : memref<1x64x16x256xf32, #tpu.memory_space<hbm>> -> memref<64x16x256xf32, #tpu.memory_space<hbm>>
    tpu.wait_dma2 semaphore(%arg10 : memref<!tpu.dma_semaphore, #tpu.memory_space<semaphore_mem>>) src(%dma_wait3A_250 : memref<64x16x256xf32, #tpu.memory_space<hbm>>) dst(%arg7 : memref<64x16x256xf32, #tpu.memory_space<vmem>>)
    %iota3A_251 = tpu.iota {dimensions = array<i32: 1>} : vector<16x256xi32>
    %iota3A_252 = tpu.iota {dimensions = array<i32: 0>} : vector<16x256xi32>
    %add3A_253 = vector.broadcast %min3A_106 : i32 to vector<16x256xi32>
    %add3A_254 = arith.addi %iota3A_252, %add3A_253 : vector<16x256xi32>
    %eq3A_255 = vector.broadcast %convert_element_type3A_162 : i32 to vector<16x256xi32>
    %eq3A_256 = arith.cmpi eq, %iota3A_251, %eq3A_255 : vector<16x256xi32>
    %sub3A_257 = arith.constant 1.000000e+00 : f32
    %sub3A_258 = arith.subf %sub3A_257, %sub3A_164 : f32
    %jit3A_259 = arith.constant 0.000000e+00 : f32
    %broadcast_in_dim3A_260 = vector.broadcast %sub3A_258 : f32 to vector<16x256xf32>
    %broadcast_in_dim3A_261 = vector.broadcast %jit3A_259 : f32 to vector<16x256xf32>
    %select_n3A_262 = arith.select %eq3A_256, %broadcast_in_dim3A_260, %broadcast_in_dim3A_261 : vector<16x256xi1>, vector<16x256xf32>
    %eq3A_263 = vector.broadcast %min3A_168 : i32 to vector<16x256xi32>
    %eq3A_264 = arith.cmpi eq, %iota3A_251, %eq3A_263 : vector<16x256xi32>
    %jit3A_265 = arith.constant 0.000000e+00 : f32
    %broadcast_in_dim3A_266 = vector.broadcast %sub3A_164 : f32 to vector<16x256xf32>
    %broadcast_in_dim3A_267 = vector.broadcast %jit3A_265 : f32 to vector<16x256xf32>
    %select_n3A_268 = arith.select %eq3A_264, %broadcast_in_dim3A_266, %broadcast_in_dim3A_267 : vector<16x256xi1>, vector<16x256xf32>
    %add3A_269 = arith.addf %select_n3A_262, %select_n3A_268 : vector<16x256xf32>
    %eq3A_270 = vector.broadcast %convert_element_type3A_72 : i32 to vector<16x256xi32>
    %eq3A_271 = arith.cmpi eq, %add3A_254, %eq3A_270 : vector<16x256xi32>
    %sub3A_272 = arith.constant 1.000000e+00 : f32
    %sub3A_273 = arith.subf %sub3A_272, %sub3A_74 : f32
    %jit3A_274 = arith.constant 0.000000e+00 : f32
    %broadcast_in_dim3A_275 = vector.broadcast %sub3A_273 : f32 to vector<16x256xf32>
    %broadcast_in_dim3A_276 = vector.broadcast %jit3A_274 : f32 to vector<16x256xf32>
    %select_n3A_277 = arith.select %eq3A_271, %broadcast_in_dim3A_275, %broadcast_in_dim3A_276 : vector<16x256xi1>, vector<16x256xf32>
    %eq3A_278 = vector.broadcast %min3A_78 : i32 to vector<16x256xi32>
    %eq3A_279 = arith.cmpi eq, %add3A_254, %eq3A_278 : vector<16x256xi32>
    %jit3A_280 = arith.constant 0.000000e+00 : f32
    %broadcast_in_dim3A_281 = vector.broadcast %sub3A_74 : f32 to vector<16x256xf32>
    %broadcast_in_dim3A_282 = vector.broadcast %jit3A_280 : f32 to vector<16x256xf32>
    %select_n3A_283 = arith.select %eq3A_279, %broadcast_in_dim3A_281, %broadcast_in_dim3A_282 : vector<16x256xi1>, vector<16x256xf32>
    %add3A_284 = arith.addf %select_n3A_277, %select_n3A_283 : vector<16x256xf32>
    %mul3A_285 = arith.mulf %add3A_269, %add3A_284 : vector<16x256xf32>
    %get3A_286 = arith.constant 0 : index
    %get3A_287 = arith.constant 0 : index
    %get3A_288 = arith.constant 0 : index
    %get3A_289 = vector.load %arg6[%get3A_286, %get3A_287, %get3A_288] : memref<64x16x256xf32, #tpu.memory_space<vmem>>, vector<64x16x256xf32>
    %broadcast_in_dim3A_290 = vector.shape_cast %mul3A_285 : vector<16x256xf32> to vector<1x16x256xf32>
    %mul3A_291 = vector.broadcast %broadcast_in_dim3A_290 : vector<1x16x256xf32> to vector<64x16x256xf32>
    %mul3A_292 = arith.mulf %get3A_289, %mul3A_291 : vector<64x16x256xf32>
    %reduce_sum3A_293 = arith.constant dense<0.000000e+00> : vector<64xf32>
    %reduce_sum3A_294 = vector.multi_reduction <add>, %mul3A_292, %reduce_sum3A_293 [1, 2] : vector<64x16x256xf32> to vector<64xf32>
    %swap3A_295 = arith.constant 0 : index
    %swap3A_296 = arith.constant 0 : index
    %swap3A_297 = arith.constant 0 : index
    %swap3A_298 = vector.load %arg4[%swap3A_295, %swap3A_296, %swap3A_297] : memref<2x2x64xf32, #tpu.memory_space<vmem>>, vector<1x1x64xf32>
    %swap3A_299 = vector.shape_cast %swap3A_298 : vector<1x1x64xf32> to vector<64xf32>
    %swap3A_300 = vector.shape_cast %reduce_sum3A_294 : vector<64xf32> to vector<1x1x64xf32>
    tpu.vector_store %arg4[%swap3A_295, %swap3A_296, %swap3A_297], %swap3A_300 {strides = array<i32>} : memref<2x2x64xf32, #tpu.memory_space<vmem>>, vector<1x1x64xf32>,
    %iota3A_301 = tpu.iota {dimensions = array<i32: 1>} : vector<16x256xi32>
    %iota3A_302 = tpu.iota {dimensions = array<i32: 0>} : vector<16x256xi32>
    %add3A_303 = vector.broadcast %min3A_106 : i32 to vector<16x256xi32>
    %add3A_304 = arith.addi %iota3A_302, %add3A_303 : vector<16x256xi32>
    %eq3A_305 = vector.broadcast %convert_element_type3A_179 : i32 to vector<16x256xi32>
    %eq3A_306 = arith.cmpi eq, %iota3A_301, %eq3A_305 : vector<16x256xi32>
    %sub3A_307 = arith.constant 1.000000e+00 : f32
    %sub3A_308 = arith.subf %sub3A_307, %sub3A_181 : f32
    %jit3A_309 = arith.constant 0.000000e+00 : f32
    %broadcast_in_dim3A_310 = vector.broadcast %sub3A_308 : f32 to vector<16x256xf32>
    %broadcast_in_dim3A_311 = vector.broadcast %jit3A_309 : f32 to vector<16x256xf32>
    %select_n3A_312 = arith.select %eq3A_306, %broadcast_in_dim3A_310, %broadcast_in_dim3A_311 : vector<16x256xi1>, vector<16x256xf32>
    %eq3A_313 = vector.broadcast %min3A_185 : i32 to vector<16x256xi32>
    %eq3A_314 = arith.cmpi eq, %iota3A_301, %eq3A_313 : vector<16x256xi32>
    %jit3A_315 = arith.constant 0.000000e+00 : f32
    %broadcast_in_dim3A_316 = vector.broadcast %sub3A_181 : f32 to vector<16x256xf32>
    %broadcast_in_dim3A_317 = vector.broadcast %jit3A_315 : f32 to vector<16x256xf32>
    %select_n3A_318 = arith.select %eq3A_314, %broadcast_in_dim3A_316, %broadcast_in_dim3A_317 : vector<16x256xi1>, vector<16x256xf32>
    %add3A_319 = arith.addf %select_n3A_312, %select_n3A_318 : vector<16x256xf32>
    %eq3A_320 = vector.broadcast %convert_element_type3A_72 : i32 to vector<16x256xi32>
    %eq3A_321 = arith.cmpi eq, %add3A_304, %eq3A_320 : vector<16x256xi32>
    %sub3A_322 = arith.constant 1.000000e+00 : f32
    %sub3A_323 = arith.subf %sub3A_322, %sub3A_74 : f32
    %jit3A_324 = arith.constant 0.000000e+00 : f32
    %broadcast_in_dim3A_325 = vector.broadcast %sub3A_323 : f32 to vector<16x256xf32>
    %broadcast_in_dim3A_326 = vector.broadcast %jit3A_324 : f32 to vector<16x256xf32>
    %select_n3A_327 = arith.select %eq3A_321, %broadcast_in_dim3A_325, %broadcast_in_dim3A_326 : vector<16x256xi1>, vector<16x256xf32>
    %eq3A_328 = vector.broadcast %min3A_78 : i32 to vector<16x256xi32>
    %eq3A_329 = arith.cmpi eq, %add3A_304, %eq3A_328 : vector<16x256xi32>
    %jit3A_330 = arith.constant 0.000000e+00 : f32
    %broadcast_in_dim3A_331 = vector.broadcast %sub3A_74 : f32 to vector<16x256xf32>
    %broadcast_in_dim3A_332 = vector.broadcast %jit3A_330 : f32 to vector<16x256xf32>
    %select_n3A_333 = arith.select %eq3A_329, %broadcast_in_dim3A_331, %broadcast_in_dim3A_332 : vector<16x256xi1>, vector<16x256xf32>
    %add3A_334 = arith.addf %select_n3A_327, %select_n3A_333 : vector<16x256xf32>
    %mul3A_335 = arith.mulf %add3A_319, %add3A_334 : vector<16x256xf32>
    %get3A_336 = arith.constant 0 : index
    %get3A_337 = arith.constant 0 : index
    %get3A_338 = arith.constant 0 : index
    %get3A_339 = vector.load %arg6[%get3A_336, %get3A_337, %get3A_338] : memref<64x16x256xf32, #tpu.memory_space<vmem>>, vector<64x16x256xf32>
    %broadcast_in_dim3A_340 = vector.shape_cast %mul3A_335 : vector<16x256xf32> to vector<1x16x256xf32>
    %mul3A_341 = vector.broadcast %broadcast_in_dim3A_340 : vector<1x16x256xf32> to vector<64x16x256xf32>
    %mul3A_342 = arith.mulf %get3A_339, %mul3A_341 : vector<64x16x256xf32>
    %reduce_sum3A_343 = arith.constant dense<0.000000e+00> : vector<64xf32>
    %reduce_sum3A_344 = vector.multi_reduction <add>, %mul3A_342, %reduce_sum3A_343 [1, 2] : vector<64x16x256xf32> to vector<64xf32>
    %swap3A_345 = arith.constant 0 : index
    %swap3A_346 = arith.constant 1 : index
    %swap3A_347 = arith.constant 0 : index
    %swap3A_348 = vector.load %arg4[%swap3A_345, %swap3A_346, %swap3A_347] : memref<2x2x64xf32, #tpu.memory_space<vmem>>, vector<1x1x64xf32>
    %swap3A_349 = vector.shape_cast %swap3A_348 : vector<1x1x64xf32> to vector<64xf32>
    %swap3A_350 = vector.shape_cast %reduce_sum3A_344 : vector<64xf32> to vector<1x1x64xf32>
    tpu.vector_store %arg4[%swap3A_345, %swap3A_346, %swap3A_347], %swap3A_350 {strides = array<i32>} : memref<2x2x64xf32, #tpu.memory_space<vmem>>, vector<1x1x64xf32>,
    %iota3A_351 = tpu.iota {dimensions = array<i32: 1>} : vector<16x256xi32>
    %iota3A_352 = tpu.iota {dimensions = array<i32: 0>} : vector<16x256xi32>
    %add3A_353 = vector.broadcast %min3A_151 : i32 to vector<16x256xi32>
    %add3A_354 = arith.addi %iota3A_352, %add3A_353 : vector<16x256xi32>
    %eq3A_355 = vector.broadcast %convert_element_type3A_162 : i32 to vector<16x256xi32>
    %eq3A_356 = arith.cmpi eq, %iota3A_351, %eq3A_355 : vector<16x256xi32>
    %sub3A_357 = arith.constant 1.000000e+00 : f32
    %sub3A_358 = arith.subf %sub3A_357, %sub3A_164 : f32
    %jit3A_359 = arith.constant 0.000000e+00 : f32
    %broadcast_in_dim3A_360 = vector.broadcast %sub3A_358 : f32 to vector<16x256xf32>
    %broadcast_in_dim3A_361 = vector.broadcast %jit3A_359 : f32 to vector<16x256xf32>
    %select_n3A_362 = arith.select %eq3A_356, %broadcast_in_dim3A_360, %broadcast_in_dim3A_361 : vector<16x256xi1>, vector<16x256xf32>
    %eq3A_363 = vector.broadcast %min3A_168 : i32 to vector<16x256xi32>
    %eq3A_364 = arith.cmpi eq, %iota3A_351, %eq3A_363 : vector<16x256xi32>
    %jit3A_365 = arith.constant 0.000000e+00 : f32
    %broadcast_in_dim3A_366 = vector.broadcast %sub3A_164 : f32 to vector<16x256xf32>
    %broadcast_in_dim3A_367 = vector.broadcast %jit3A_365 : f32 to vector<16x256xf32>
    %select_n3A_368 = arith.select %eq3A_364, %broadcast_in_dim3A_366, %broadcast_in_dim3A_367 : vector<16x256xi1>, vector<16x256xf32>
    %add3A_369 = arith.addf %select_n3A_362, %select_n3A_368 : vector<16x256xf32>
    %eq3A_370 = vector.broadcast %convert_element_type3A_117 : i32 to vector<16x256xi32>
    %eq3A_371 = arith.cmpi eq, %add3A_354, %eq3A_370 : vector<16x256xi32>
    %sub3A_372 = arith.constant 1.000000e+00 : f32
    %sub3A_373 = arith.subf %sub3A_372, %sub3A_119 : f32
    %jit3A_374 = arith.constant 0.000000e+00 : f32
    %broadcast_in_dim3A_375 = vector.broadcast %sub3A_373 : f32 to vector<16x256xf32>
    %broadcast_in_dim3A_376 = vector.broadcast %jit3A_374 : f32 to vector<16x256xf32>
    %select_n3A_377 = arith.select %eq3A_371, %broadcast_in_dim3A_375, %broadcast_in_dim3A_376 : vector<16x256xi1>, vector<16x256xf32>
    %eq3A_378 = vector.broadcast %min3A_123 : i32 to vector<16x256xi32>
    %eq3A_379 = arith.cmpi eq, %add3A_354, %eq3A_378 : vector<16x256xi32>
    %jit3A_380 = arith.constant 0.000000e+00 : f32
    %broadcast_in_dim3A_381 = vector.broadcast %sub3A_119 : f32 to vector<16x256xf32>
    %broadcast_in_dim3A_382 = vector.broadcast %jit3A_380 : f32 to vector<16x256xf32>
    %select_n3A_383 = arith.select %eq3A_379, %broadcast_in_dim3A_381, %broadcast_in_dim3A_382 : vector<16x256xi1>, vector<16x256xf32>
    %add3A_384 = arith.addf %select_n3A_377, %select_n3A_383 : vector<16x256xf32>
    %mul3A_385 = arith.mulf %add3A_369, %add3A_384 : vector<16x256xf32>
    %get3A_386 = arith.constant 0 : index
    %get3A_387 = arith.constant 0 : index
    %get3A_388 = arith.constant 0 : index
    %get3A_389 = vector.load %arg7[%get3A_386, %get3A_387, %get3A_388] : memref<64x16x256xf32, #tpu.memory_space<vmem>>, vector<64x16x256xf32>
    %broadcast_in_dim3A_390 = vector.shape_cast %mul3A_385 : vector<16x256xf32> to vector<1x16x256xf32>
    %mul3A_391 = vector.broadcast %broadcast_in_dim3A_390 : vector<1x16x256xf32> to vector<64x16x256xf32>
    %mul3A_392 = arith.mulf %get3A_389, %mul3A_391 : vector<64x16x256xf32>
    %reduce_sum3A_393 = arith.constant dense<0.000000e+00> : vector<64xf32>
    %reduce_sum3A_394 = vector.multi_reduction <add>, %mul3A_392, %reduce_sum3A_393 [1, 2] : vector<64x16x256xf32> to vector<64xf32>
    %swap3A_395 = arith.constant 1 : index
    %swap3A_396 = arith.constant 0 : index
    %swap3A_397 = arith.constant 0 : index
    %swap3A_398 = vector.load %arg4[%swap3A_395, %swap3A_396, %swap3A_397] : memref<2x2x64xf32, #tpu.memory_space<vmem>>, vector<1x1x64xf32>
    %swap3A_399 = vector.shape_cast %swap3A_398 : vector<1x1x64xf32> to vector<64xf32>
    %swap3A_400 = vector.shape_cast %reduce_sum3A_394 : vector<64xf32> to vector<1x1x64xf32>
    tpu.vector_store %arg4[%swap3A_395, %swap3A_396, %swap3A_397], %swap3A_400 {strides = array<i32>} : memref<2x2x64xf32, #tpu.memory_space<vmem>>, vector<1x1x64xf32>,
    %iota3A_401 = tpu.iota {dimensions = array<i32: 1>} : vector<16x256xi32>
    %iota3A_402 = tpu.iota {dimensions = array<i32: 0>} : vector<16x256xi32>
    %add3A_403 = vector.broadcast %min3A_151 : i32 to vector<16x256xi32>
    %add3A_404 = arith.addi %iota3A_402, %add3A_403 : vector<16x256xi32>
    %eq3A_405 = vector.broadcast %convert_element_type3A_179 : i32 to vector<16x256xi32>
    %eq3A_406 = arith.cmpi eq, %iota3A_401, %eq3A_405 : vector<16x256xi32>
    %sub3A_407 = arith.constant 1.000000e+00 : f32
    %sub3A_408 = arith.subf %sub3A_407, %sub3A_181 : f32
    %jit3A_409 = arith.constant 0.000000e+00 : f32
    %broadcast_in_dim3A_410 = vector.broadcast %sub3A_408 : f32 to vector<16x256xf32>
    %broadcast_in_dim3A_411 = vector.broadcast %jit3A_409 : f32 to vector<16x256xf32>
    %select_n3A_412 = arith.select %eq3A_406, %broadcast_in_dim3A_410, %broadcast_in_dim3A_411 : vector<16x256xi1>, vector<16x256xf32>
    %eq3A_413 = vector.broadcast %min3A_185 : i32 to vector<16x256xi32>
    %eq3A_414 = arith.cmpi eq, %iota3A_401, %eq3A_413 : vector<16x256xi32>
    %jit3A_415 = arith.constant 0.000000e+00 : f32
    %broadcast_in_dim3A_416 = vector.broadcast %sub3A_181 : f32 to vector<16x256xf32>
    %broadcast_in_dim3A_417 = vector.broadcast %jit3A_415 : f32 to vector<16x256xf32>
    %select_n3A_418 = arith.select %eq3A_414, %broadcast_in_dim3A_416, %broadcast_in_dim3A_417 : vector<16x256xi1>, vector<16x256xf32>
    %add3A_419 = arith.addf %select_n3A_412, %select_n3A_418 : vector<16x256xf32>
    %eq3A_420 = vector.broadcast %convert_element_type3A_117 : i32 to vector<16x256xi32>
    %eq3A_421 = arith.cmpi eq, %add3A_404, %eq3A_420 : vector<16x256xi32>
    %sub3A_422 = arith.constant 1.000000e+00 : f32
    %sub3A_423 = arith.subf %sub3A_422, %sub3A_119 : f32
    %jit3A_424 = arith.constant 0.000000e+00 : f32
    %broadcast_in_dim3A_425 = vector.broadcast %sub3A_423 : f32 to vector<16x256xf32>
    %broadcast_in_dim3A_426 = vector.broadcast %jit3A_424 : f32 to vector<16x256xf32>
    %select_n3A_427 = arith.select %eq3A_421, %broadcast_in_dim3A_425, %broadcast_in_dim3A_426 : vector<16x256xi1>, vector<16x256xf32>
    %eq3A_428 = vector.broadcast %min3A_123 : i32 to vector<16x256xi32>
    %eq3A_429 = arith.cmpi eq, %add3A_404, %eq3A_428 : vector<16x256xi32>
    %jit3A_430 = arith.constant 0.000000e+00 : f32
    %broadcast_in_dim3A_431 = vector.broadcast %sub3A_119 : f32 to vector<16x256xf32>
    %broadcast_in_dim3A_432 = vector.broadcast %jit3A_430 : f32 to vector<16x256xf32>
    %select_n3A_433 = arith.select %eq3A_429, %broadcast_in_dim3A_431, %broadcast_in_dim3A_432 : vector<16x256xi1>, vector<16x256xf32>
    %add3A_434 = arith.addf %select_n3A_427, %select_n3A_433 : vector<16x256xf32>
    %mul3A_435 = arith.mulf %add3A_419, %add3A_434 : vector<16x256xf32>
    %get3A_436 = arith.constant 0 : index
    %get3A_437 = arith.constant 0 : index
    %get3A_438 = arith.constant 0 : index
    %get3A_439 = vector.load %arg7[%get3A_436, %get3A_437, %get3A_438] : memref<64x16x256xf32, #tpu.memory_space<vmem>>, vector<64x16x256xf32>
    %broadcast_in_dim3A_440 = vector.shape_cast %mul3A_435 : vector<16x256xf32> to vector<1x16x256xf32>
    %mul3A_441 = vector.broadcast %broadcast_in_dim3A_440 : vector<1x16x256xf32> to vector<64x16x256xf32>
    %mul3A_442 = arith.mulf %get3A_439, %mul3A_441 : vector<64x16x256xf32>
    %reduce_sum3A_443 = arith.constant dense<0.000000e+00> : vector<64xf32>
    %reduce_sum3A_444 = vector.multi_reduction <add>, %mul3A_442, %reduce_sum3A_443 [1, 2] : vector<64x16x256xf32> to vector<64xf32>
    %swap3A_445 = arith.constant 1 : index
    %swap3A_446 = arith.constant 1 : index
    %swap3A_447 = arith.constant 0 : index
    %swap3A_448 = vector.load %arg4[%swap3A_445, %swap3A_446, %swap3A_447] : memref<2x2x64xf32, #tpu.memory_space<vmem>>, vector<1x1x64xf32>
    %swap3A_449 = vector.shape_cast %swap3A_448 : vector<1x1x64xf32> to vector<64xf32>
    %swap3A_450 = vector.shape_cast %reduce_sum3A_444 : vector<64xf32> to vector<1x1x64xf32>
    tpu.vector_store %arg4[%swap3A_445, %swap3A_446, %swap3A_447], %swap3A_450 {strides = array<i32>} : memref<2x2x64xf32, #tpu.memory_space<vmem>>, vector<1x1x64xf32>,
    return
  }
}

</mosaic_0001>

<sc_bundles>
// kernel: kernel.4.cloned.1.call-start
scs
__scs_entry_jumppad:
0x0: {  	(pc) =	sbr.rel $0x88, $3  }
0x1: {  	(tag) =	ssettag $0x0;
	lr =	simm.s32 $0x1  }
0x2: {  	[smem:$0x3F9B] =	sst lr;
	_ =	strace $0xD0000000  }
0x3: {  	_ = 	snop  }
0x4: {  	_ = 	snop  }
0x5: {  	_ = 	snop  }
0x6: {  	_ = 	snop  }
0x7: {  	_ = 	snop  }
__scs_overlays_trampoline_lowered:
0x8: {  	[smem:$0x3FAA] =	sst s0  }
0x9: {  	[smem:$0x3FAB] =	sst s1  }
0xa: {  	[smem:$0x3FAC] =	sst s2  }
0xb: {  	[smem:$0x3FAD] =	sst s3  }
0xc: {  	[smem:$0x3FAE] =	sst s4  }
0xd: {  	[smem:$0x3FAF] =	sst s5  }
0xe: {  	[smem:$0x3FB0] =	sst s6  }
0xf: {  	[smem:$0x3FB1] =	sst s7  }
0x10: {  	[smem:$0x3FB2] =	sst s8  }
0x11: {  	[smem:$0x3FB3] =	sst s9;
	s0 =	simm.s32 @!p0 $0x0  }
0x12: {  	s1 =	sld [smem:$0x3F99];
	s0 =	simm.s32 @p0 $0x1  }
0x13: {  	[smem:$0x3FB4] =	sst s0;
	s0 =	simm.s32 @!p1 $0x0  }
0x14: {  	s2 =	sld [smem:$0x3F98];
	s0 =	simm.s32 @p1 $0x1  }
0x15: {  	[smem:$0x3FB5] =	sst s0;
	s0 =	simm.s32 @!p2 $0x0  }
0x16: {  	s3 =	sld [smem:$0x3FDB];
	s0 =	simm.s32 @p2 $0x1  }
0x17: {  	s4 =	simm.s32 $0x1BF5;
	[smem:$0x3FB7] =	sst s0  }
0x18: {  	s0 =	sld [smem:$0x3F9A];
	_ =	swait.ge [sflag:s4], $0x0  }
0x19: {  	s7 =	sld [smem:$0x3F9B]  }
0x1a: {  	s8 =	sadd.s32 $0xFFFFE003, lr  }
0x1b: {  	s9 =	sadd.s32 $0xFFFFFEF7, lr;
	s5 =	simm.s32 $0xFFFFFFFF;
	p2 =	slt.u32 s8, $0xFFFFF086  }
0x1c: {  	p1 =	slt.u32 s9, $0xF7A;
	s5 =	simm.s32 @!p2 $0x0  }
0x1d: {  	s5 =	simm.s32 @p1 $0x1;
	p0 =	seq.s32 s7, s2  }
0x1e: {  	s7 =	smul.u32 @!p0 $0xF7A, s2;
	p2 =	seq.s32 @!p0 s5, $0x0  }
0x1f: {  	s9 =	smul.u32 $0xF7A, s1;
	s8 =	simm.s32 @!p0 $0x1BF5;
	p2 =	por !p2, p0  }
0x20: {  	[sflag:s8] =	ssyncset.s32 @!p0 $0xFFFFF086;
	s6 =	sadd.s32 @!p0 s3, s7;
	s7 =	simm.s32 @!p0 $0x108  }
0x21: {  	s3 =	sadd.s32 s3, s9;
	s6 =	sadd.s32 @!p0 $0x88, s6;
	s7 =	simm.s32 @p2 $0x1082  }
0x22: {  	[simem:s7], [sflag:s8] =	dma.local @!p0 [hbm:s6], $0xF7A  }
0x23: {  	s9 =	sor.u32 $0xD0000000, s2;
	s6 =	simm.s32 $0x108;
	_ =	swait.ge @!p0 [sflag:s8], $0x0  }
0x24: {  	s3 =	sadd.s32 $0x88, s3;
	s6 =	simm.s32 @!p1 $0x1082;
	[sflag:s4] =	ssyncset.s32 $0xFFFFF086  }
0x25: {  	[simem:s6], [sflag:s4] =	dma.local [hbm:s3], $0xF7A  }
0x26: {  	[smem:$0x3F9B] =	sst s1;
	(tag) =	ssettag s2;
	_ =	strace s9  }
0x27: {  	s1 =	sld [smem:$0x3FAB]  }
0x28: {  	s2 =	sld [smem:$0x3FAC]  }
0x29: {  	s4 =	sld [smem:$0x3FAE]  }
0x2a: {  	p0 =	seq.s32 s5, $0x0;
	s5 =	sld [smem:$0x3FAF]  }
0x2b: {  	s6 =	sld [smem:$0x3FB0]  }
0x2c: {  	s7 =	sld [smem:$0x3FB1]  }
0x2d: {  	s3 =	simm.s32 $0x108;
	s8 =	sld [smem:$0x3FB2]  }
0x2e: {  	s3 =	simm.s32 @!p0 $0x1082;
	s9 =	sld [smem:$0x3FB3]  }
0x2f: {  	lr =	sadd.s32 s0, s3;
	s0 =	sld [smem:$0x3FAA]  }
0x30: {  	s3 =	sld [smem:$0x3FAD]  }
0x31: {  	[smem:$0x3FB6] =	sst s10  }
0x32: {  	s10 =	sld [smem:$0x3FB4];
	_ =	sdelay $0x3  }
0x33: {  	p0 =	seq.s32 s10, $0x1;
	s10 =	sld [smem:$0x3FB6];
	_ =	sdelay $0x3  }
0x34: {  	[smem:$0x3FB6] =	sst s10  }
0x35: {  	s10 =	sld [smem:$0x3FB5];
	_ =	sdelay $0x3  }
0x36: {  	p1 =	seq.s32 s10, $0x1;
	s10 =	sld [smem:$0x3FB6];
	_ =	sdelay $0x3  }
0x37: {  	[smem:$0x3FB6] =	sst s10  }
0x38: {  	s10 =	sld [smem:$0x3FB7]  }
0x39: {  	_ = 	snop;
	(pc) =	sbr.ind lr, $3  }
0x3a: {  	_ = 	snop  }
0x3b: {  	_ = 	snop  }
0x3c: {  	p2 =	seq.s32 s10, $0x1;
	s10 =	sld [smem:$0x3FB6]  }
0x3d: {  	_ =	shalt  }
0x3e: {  	_ =	shalt  }
0x3f: {  	_ =	shalt  }
0x40: {  	_ =	shalt  }
0x41: {  	_ =	shalt  }
0x42: {  	_ =	shalt  }
0x43: {  	_ =	shalt  }
0x44: {  	_ =	shalt  }
0x45: {  	_ =	shalt  }
0x46: {  	_ =	shalt  }
0x47: {  	_ =	shalt  }
0x48: {  	_ =	shalt  }
0x49: {  	_ =	shalt  }
0x4a: {  	_ =	shalt  }
0x4b: {  	_ =	shalt  }
0x4c: {  	_ =	shalt  }
0x4d: {  	_ =	shalt  }
0x4e: {  	_ =	shalt  }
0x4f: {  	_ =	shalt  }
0x50: {  	_ =	shalt  }
0x51: {  	_ =	shalt  }
0x52: {  	_ =	shalt  }
0x53: {  	_ =	shalt  }
0x54: {  	_ =	shalt  }
0x55: {  	_ =	shalt  }
0x56: {  	_ =	shalt  }
0x57: {  	_ =	shalt  }
0x58: {  	_ =	shalt  }
0x59: {  	_ =	shalt  }
0x5a: {  	_ =	shalt  }
0x5b: {  	_ =	shalt  }
0x5c: {  	_ =	shalt  }
0x5d: {  	_ =	shalt  }
0x5e: {  	_ =	shalt  }
0x5f: {  	_ =	shalt  }
0x60: {  	_ =	shalt  }
0x61: {  	_ =	shalt  }
0x62: {  	_ =	shalt  }
0x63: {  	_ =	shalt  }
0x64: {  	_ =	shalt  }
0x65: {  	_ =	shalt  }
0x66: {  	_ =	shalt  }
0x67: {  	_ =	shalt  }
0x68: {  	_ =	shalt  }
0x69: {  	_ =	shalt  }
0x6a: {  	_ =	shalt  }
0x6b: {  	_ =	shalt  }
0x6c: {  	_ =	shalt  }
0x6d: {  	_ =	shalt  }
0x6e: {  	_ =	shalt  }
0x6f: {  	_ =	shalt  }
0x70: {  	_ =	shalt  }
0x71: {  	_ =	shalt  }
0x72: {  	_ =	shalt  }
0x73: {  	_ =	shalt  }
0x74: {  	_ =	shalt  }
0x75: {  	_ =	shalt  }
0x76: {  	_ =	shalt  }
0x77: {  	_ =	shalt  }
0x78: {  	_ =	shalt  }
0x79: {  	_ =	shalt  }
0x7a: {  	_ =	shalt  }
0x7b: {  	_ =	shalt  }
0x7c: {  	_ =	shalt  }
0x7d: {  	_ =	shalt  }
0x7e: {  	_ =	shalt  }
0x7f: {  	_ =	shalt  }
0x80: {  	_ =	shalt  }
0x81: {  	_ =	shalt  }
0x82: {  	_ =	shalt  }
0x83: {  	_ =	shalt  }
0x84: {  	_ =	shalt  }
0x85: {  	_ =	shalt  }
0x86: {  	_ =	shalt  }
0x87: {  	_ =	shalt  }
.Lfunc_end0:
.L_simem_size_0:
called_computation_lowered:
.L_overlay_start_0:
0x88: {  	s0 =	sld [smem:$0x3FD9]  }
0x89: {  	s1 =	sld [smem:$0x3FFE];
	_ =	sdelay $0x3  }
0x8a: {  	s0 =	sadd.s32 s1, s0  }
0x8b: {  	[smem:$0x3FC2] =	sst s0  }
0x8c: {  	_ = 	snop  }
0x8d: {  	s0 =	sld [smem:$0x3FC8]  }
0x8e: {  	s14 =	sld [smem:$0x3FD0]  }
0x8f: {  	s2 =	sld [smem:$0x3FC7]  }
0x90: {  	s3 =	sld [smem:$0x3FC6]  }
0x91: {  	s5 =	simm.s32 $0xA;
	s6 =	simm.s32 $0x10;
	s4 =	sld [smem:$0x3FC4]  }
0x92: {  	[smem:s6], [sflag:s5] =	dma.local [hbm:s14], $0x1  }
0x93: {  	_ =	swait.eq [sflag:s5], $0x1  }
0x94: {  	s15 =	sld [smem:$0x11];
	[sflag:s5] =	ssyncset.done $0x0  }
0x95: {  	s16 =	sld [smem:$0x12];
	[sflag:s5] =	ssyncadd.s32 $0xFFFFFFFF  }
0x96: {  	s17 =	sld [smem:$0x13];
	(tm) =	ssettm $0x1  }
0x97: {  	s7 =	sld [smem:$0x3FFB];
	_ =	sdelay $0x3  }
0x98: {  	_ =	strace s7  }
0x99: {  	s7 =	sld [smem:$0x3FFC];
	_ =	sdelay $0x3  }
0x9a: {  	_ =	strace s7  }
0x9b: {  	s7 =	sld [smem:$0x3FFD];
	_ =	sdelay $0x3  }
0x9c: {  	_ =	strace s7  }
0x9d: {  	_ =	strace $0x8FFFFFFF  }
0x9e: {  	s18 =	sld [smem:$0x3FDB];
	_ =	sdelay $0x1  }
0x9f: {  	s8 =	simm.s32 $_scs_section_size  }
0xa0: {  	s9 =	simm.s32 $_size__tile_overlayer_lowered;
	s10 =	simm.s32 $_tile_overlayer_lowered  }
0xa1: {  	s21 =	simm.s32 $0x1BFF;
	s20 =	sshll.u32 s10, $0x1;
	s7 =	sadd.s32 s8, s18  }
0xa2: {  	s11 =	simm.s32 $0x0;
	s19 =	sshll.u32 s9, $0x1;
	s9 =	sadd.s32 s20, s7  }
0xa3: {  	[timem:s11], [sflag:s21] =	dma.local [hbm:s9], s19  }
0xa4: {  	_ =	swait.ge [sflag:s21], s19  }
0xa5: {  	s8 =	ssub.s32 $0x0, s19;
	[sflag:s21] =	ssyncset.done $0x0  }
0xa6: {  	[sflag:s21] =	ssyncadd.s32 s8;
	_ =	sdelay $0x1  }
0xa7: {  	s22 =	simm.s32 $0x1B8B  }
0xa8: {  	_ =	swait.ge [sflag:s22], $0x1  }
0xa9: {  	[sflag:s22] =	ssyncset.done $0x0  }
0xaa: {  	s23 =	simm.s32 $0x1B8E;
	[sflag:s22] =	ssyncadd.s32 $0xFFFFFFFF  }
0xab: {  	s24 =	simm.s32 $execute0_lowered;
	[smem:$0x3FD2] =	sst s23  }
0xac: {  	s8 =	sshll.u32 s24, $0x1;
	_ =	strace $0x80000046;
	[dreg:$0x1] =	wrdreg $0xFFFFFFFF  }
0xad: {  	s25 =	simm.s32 $_size_execute0_lowered;
	s7 =	sadd.s32 s7, s8;
	[dreg:$0x0] =	wrdreg $0x0  }
0xae: {  	s8 =	sshll.u32 s25, $0x1;
	[dreg:$0x2] =	wrdreg s7  }
0xaf: {  	[dreg:$0x3] =	wrdreg s8  }
0xb0: {  	[dreg:$0x4] =	wrdreg $0xC0  }
0xb1: {  	_ =	task [dreg:s11], $0x5FFFF  }
0xb2: {  	[dreg:$0x1] =	wrdreg $0xFFFFFFFF  }
0xb3: {  	[dreg:$0x0] =	wrdreg $0x60  }
0xb4: {  	[dreg:$0x2] =	wrdreg s0  }
0xb5: {  	[dreg:$0x3] =	wrdreg s2  }
0xb6: {  	[dreg:$0x4] =	wrdreg s3  }
0xb7: {  	[dreg:$0x5] =	wrdreg s4  }
0xb8: {  	[dreg:$0x6] =	wrdreg s15  }
0xb9: {  	[dreg:$0x7] =	wrdreg s16  }
0xba: {  	[dreg:$0x8] =	wrdreg s17  }
0xbb: {  	[dreg:$0x9] =	wrdreg $0x9  }
0xbc: {  	_ =	task.clear_ibuf [dreg:s11], $0xAFFFF;
	_ =	strace $0x90000046  }
0xbd: {  	s26 =	simm.s32 $0x9;
	_ =	strace $0x80000048  }
0xbe: {  	_ =	swait.ge [sflag:s26], $0x1  }
0xbf: {  	[sflag:s26] =	ssyncadd.s32 $0xFFFFFFFF  }
0xc0: {  	_ =	strace $0x90000048  }
0xc1: {  	_ =	sfence  }
0xc2: {  	s28 =	sld [smem:$0x0];
	_ =	sdelay $0x1  }
0xc3: {  	s29 =	srdreg.scid  }
0xc4: {  	s30 =	sshll.u32 s29, $0xD;
	s31 =	sshrl.u32 s29, $0x2  }
0xc5: {  	s1 =	sand.u32 $0x1, s29;
	s2 =	sand.u32 $0x4000, s30;
	s0 =	sadd.s32 s31, s28  }
0xc6: {  	s1 =	sor.u32 s2, s1;
	s0 =	sshll.u32 s0, $0x11  }
0xc7: {  	s0 =	sor.u32 s0, s1  }
0xc8: {  	s0 =	sadd.s32 $0x8F2B, s0  }
0xc9: {  	[sflag:s0] =	ssyncadd.remote.s32 $0x1  }
0xca: {  	_ =	sfence.sel $0xFFFF  }
0xcb: {  	[dreg:$0x0] =	wrdreg $0xFFFFFFFF;
	(pc) =	sbr.abs _section_cstart, $3  }
0xcc: {  	[dreg:$0x1] =	wrdreg $0xFFFFFFFF  }
0xcd: {  	_ =	task.clear_ibuf [dreg:s11], $0x2FFFF;
	_ =	strace $0x9FFFFFFF  }
0xce: {  	(tm) =	ssettm $0x7FFFFFFF  }
0xcf: {  	_ =	shalt  }
tec
execute0_lowered:
.L_overlay_start_1:
0x0: {  	(tag) =	ssettag $0x1  }
0x1: {  	s10 =	rddreg [dreg:$0x0]  }
0x2: {  	s9 =	rddreg [dreg:$0x1]  }
0x3: {  	s5 =	rddreg [dreg:$0x2]  }
0x4: {  	s1 =	rddreg [dreg:$0x3]  }
0x5: {  	s4 =	rddreg [dreg:$0x4]  }
0x6: {  	s3 =	rddreg [dreg:$0x5]  }
0x7: {  	s2 =	rddreg [dreg:$0x6];
	s6 =	simm.s32 $0x0  }
0x8: {  	[smem:$0x7FF] =	sst s6  }
0x9: {  	s0 =	rddreg [dreg:$0x7];
	s31 =	simm.s32 $0x5;
	_ =	strace $0x80000047  }
0xa: {  	[tilespmem:s6], [sflag:$0x5] =	stream.linear.gather [hbm4b:s1+s6], $0x4, $0x38;
	[tilespmem:$0x580] =	vst v63  }
0xb: {  	_ =	swait.ge [sflag:s31], $0x4  }
0xc: {  	[sflag:s31] =	ssyncset.done $0x0  }
0xd: {  	[sflag:s31] =	ssyncadd.s32 $0xFFFFFFFC  }
0xe: {  	v0 =	vld [tilespmem:$0x0];
	_ =	sdelay $0x4  }
0xf: {  	(v2sf) =	vpush v0, $0x0  }
0x10: {  	(v2sf) =	vpush v0, $0x1  }
0x11: {  	(v2sf) =	vpush v0, $0x2  }
0x12: {  	(v2sf) =	vpush v0, $0x3;
	_ =	sdelay $0x4  }
0x13: {  	s1 =	stileid.u32  }
0x14: {  	p2 =	slt.u32 s1, $0x2  }
0x15: {  	p0 =	slt.u32 @!p2 s1, $0x6  }
0x16: {  	s7 =	sadd.s32 $0xFFFFFFFA, s1;
	p1 =	por p2, p0  }
0x17: {  	p0 =	sgt.u32 @!p1 s7, $0x7  }
0x18: {  	p0 =	por p1, !p0  }
.Ltmp0:
0x19: {  	_ = 	snop;
	(pc) =	sbr.rel @!p0 .LBB2_9-.Ltmp0, $4  }
0x1a: {  	s6 =	spop (v2sf)  }
0x1b: {  	s8 =	spop (v2sf)  }
0x1c: {  	s7 =	spop (v2sf)  }
0x1d: {  	s11 =	spop (v2sf)  }
0x1e: {  	p3 =	slt.u32 s1, $0x6;
	s12 =	simm.f32 $6.250000000e-02  }
0x1f: {  	p0 =	sgt.u32 s1, $0x1;
	s8 =	sadd.f32 s11, s8;
	s11 =	simm.s32 $0xFFFFFE  }
0x20: {  	s13 =	simm.s32 $0x1F;
	s6 =	sadd.f32 s7, s6;
	s17 =	simm.s32 @!p2 $0xFFFFE000  }
0x21: {  	s9 =	smov.u32 @p2 s10;
	s12 =	simm.s32 @!p3 $0x3D000000;
	s8 =	smul.f32 $5.000000000e-01, s8  }
0x22: {  	s30 =	simm.s32 $0x400;
	s12 =	simm.s32 @!p0 $0x3E000000;
	s25 =	smul.f32 $5.000000000e-01, s6  }
0x23: {  	s11 =	simm.s32 @!p3 $0xFFFFFA;
	s13 =	simm.s32 @!p3 $0xF;
	s24 =	smul.f32 s8, s12  }
0x24: {  	s17 =	simm.s32 @p2 $0xFFFFF000;
	s13 =	simm.s32 @!p0 $0x3F;
	s12 =	smul.f32 s25, s12  }
0x25: {  	s5 =	smov.u32 @p1 s9;
	s11 =	simm.s32 @!p0 $0x0;
	s14 =	scvt.s32.f32 s13  }
0x26: {  	s8 =	sadd.s32 s1, s11;
	s26 =	smax.f32 s24, $0.0e+00;
	s28 =	smax.f32 s12, $0.0e+00  }
0x27: {  	s6 =	smin.f32 s14, s26;
	s11 =	smin.f32 s14, s28;
	s14 =	simm.s32 @!p2 $0xA  }
0x28: {  	s7 =	scvt.f32.s32 s6;
	s12 =	scvt.f32.s32 s11;
	s14 =	simm.s32 @p2 $0x9  }
0x29: {  	s17 =	simm.s32 @!p1 $0xFFFFC000;
	s10 =	smov.u32 s13;
	s14 =	simm.s32 @!p1 $0xB  }
0x2a: {  	s15 =	sshll.u32 s8, $0xB;
	s18 =	sshll.u32 s12, s14;
	s19 =	sshll.u32 s7, $0xF  }
0x2b: {  	s20 =	sshll.u32 s12, $0x7;
	s18 =	sand.u32 s17, s18;
	s19 =	sadd.s32 s15, s19  }
0x2c: {  	s21 =	sadd.s32 $0x1, s12;
	s20 =	sand.u32 $0x380, s20;
	s22 =	sadd.s32 s18, s19  }
0x2d: {  	s16 =	sadd.s32 $0x1, s7;
	p4 =	slt.s32 s21, s13;
	s22 =	sor.u32 s20, s22  }
0x2e: {  	p3 =	slt.s32 s16, s13;
	s13 =	smov.u32 @p4 s21;
	s29 =	sshrl.u32 s22, $0x3  }
0x2f: {  	s31 =	simm.s32 $0x80;
	s14 =	sshll.u32 s13, s14;
	s9 =	sadd.s32 s5, s29  }
0x30: {  	[tilespmem:s31], [sflag:$0x1] =	stream.strided.gather [hbm4b:s9+s31], $0x100, s30, s31, $0x38;
	[tilespmem:$0x580] =	vst v63  }
0x31: {  	s13 =	sshll.u32 s13, $0x7;
	s9 =	sand.u32 s17, s14  }
0x32: {  	s13 =	sand.u32 $0x380, s13;
	s17 =	sadd.s32 s9, s19  }
0x33: {  	s14 =	sor.u32 s13, s17  }
0x34: {  	s10 =	smov.u32 @p3 s16;
	s14 =	sshrl.u32 s14, $0x3  }
0x35: {  	s23 =	sadd.s32 s15, s18;
	s19 =	simm.s32 $0x180;
	s14 =	sadd.s32 s5, s14  }
0x36: {  	[tilespmem:s19], [sflag:$0x2] =	stream.strided.gather [hbm4b:s14+s31], $0x100, s30, s31, $0x38;
	[tilespmem:$0x580] =	vst v63  }
0x37: {  	s10 =	sshll.u32 s10, $0xF;
	s14 =	sor.u32 s20, s23  }
0x38: {  	s14 =	sadd.s32 s10, s14;
	s10 =	sadd.s32 s15, s10  }
0x39: {  	s14 =	sshrl.u32 s14, $0x3;
	s9 =	sadd.s32 s9, s10  }
0x3a: {  	s24 =	simm.s32 $0x280;
	s14 =	sadd.s32 s5, s14;
	s9 =	sor.u32 s13, s9  }
0x3b: {  	[tilespmem:s24], [sflag:$0x3] =	stream.strided.gather [hbm4b:s14+s31], $0x100, s30, s31, $0x38;
	[tilespmem:$0x580] =	vst v63  }
0x3c: {  	s9 =	sshrl.u32 s9, $0x3  }
0x3d: {  	s25 =	simm.s32 $0x380;
	s26 =	simm.s32 $0x1;
	s5 =	sadd.s32 s5, s9  }
0x3e: {  	[tilespmem:s25], [sflag:$0x4] =	stream.strided.gather [hbm4b:s5+s31], $0x100, s30, s31, $0x38;
	[tilespmem:$0x580] =	vst v63  }
0x3f: {  	_ =	swait.ge [sflag:s26], $0x100  }
0x40: {  	[sflag:s26] =	ssyncset.done $0x0  }
0x41: {  	s28 =	simm.s32 $0x2;
	[sflag:s26] =	ssyncadd.s32 $0xFFFFFF00  }
0x42: {  	_ =	swait.ge [sflag:s28], $0x100  }
0x43: {  	[sflag:s28] =	ssyncset.done $0x0  }
0x44: {  	s29 =	simm.s32 $0x3;
	[sflag:s28] =	ssyncadd.s32 $0xFFFFFF00  }
0x45: {  	_ =	swait.ge [sflag:s29], $0x100  }
0x46: {  	[sflag:s29] =	ssyncset.done $0x0  }
0x47: {  	s30 =	simm.s32 $0x4;
	[sflag:s29] =	ssyncadd.s32 $0xFFFFFF00  }
0x48: {  	_ =	swait.ge [sflag:s30], $0x100  }
0x49: {  	[sflag:s30] =	ssyncset.done $0x0  }
0x4a: {  	s5 =	simm.s32 $0x0;
	[sflag:s30] =	ssyncadd.s32 $0xFFFFFF00  }
0x4b: {  	s31 =	scvt.s32.f32 s12;
	v2 =	vld [tilespmem:s5+$0x80]  }
0x4c: {  	v4 =	vld [tilespmem:s5+$0x180]  }
0x4d: {  	s9 =	ssub.f32 s11, s31;
	v6 =	vld [tilespmem:s5+$0x280]  }
0x4e: {  	s7 =	scvt.s32.f32 s7;
	v7 =	vld [tilespmem:s5+$0x380]  }
0x4f: {  	v0 =	vmov s9  }
0x50: {  	s8 =	sshll.u32 s8, $0x5;
	s7 =	ssub.f32 s6, s7;
	s6 =	simm.s32 $0x10;
	v1 =	vsub.f32 $1.000000000e+00, v0  }
0x51: {  	p5 =	por @!p2 $0x1, $0x1;
	p6 =	por @!p2 $0x0, $0x0;
	s8 =	sand.u32 $0x1FFFFFE0, s8;
	v3 =	vld [tilespmem:s6+$0x80]  }
0x52: {  	s4 =	sadd.s32 s4, s8;
	s3 =	sadd.s32 s3, s8;
	p4 =	por $0x0, $0x0;
	v5 =	vld [tilespmem:s6+$0x180];
	v8 =	vmul.f32 v2, v1;
	v9 =	vmul.f32 v4, v0  }
0x53: {  	s2 =	sadd.s32 s2, s8;
	p3 =	por $0x0, $0x0;
	p4 =	por @!p2 p5, p5;
	v2 =	vmov s7;
	v10 =	vmul.f32 v6, v1;
	v11 =	vmul.f32 v7, v0;
	v6 =	vld [tilespmem:s6+$0x280]  }
0x54: {  	p3 =	por @!p2 p6, p6;
	p2 =	por @!p1 $0x1, $0x1;
	p5 =	por @!p1 $0x0, $0x0;
	v7 =	vld [tilespmem:s6+$0x380];
	v4 =	vsub.f32 $1.000000000e+00, v2  }
0x55: {  	p4 =	por @!p1 p5, p5;
	p3 =	por @!p1 p2, p2;
	s7 =	simm.s32 $0x80;
	v8 =	vadd.f32 v9, v8;
	v9 =	vadd.f32 v11, v10  }
.LBB2_2:
0x56: {  	s8 =	sshra.s32 s7, $0x2;
	v10 =	vmov v3;
	p1 =	sne.s32 s7, $0x3C0  }
.Ltmp1:
0x57: {  	v3 =	vld [tilespmem:s8+$0x80];
	v8 =	vmul.f32 v8, v4;
	v9 =	vmul.f32 v9, v2;
	(pc) =	sbr.rel @p1 .LBB2_2-.Ltmp1, $4  }
0x58: {  	v10 =	vmul.f32 v10, v1;
	v11 =	vmul.f32 v5, v0;
	v5 =	vld [tilespmem:s8+$0x180]  }
0x59: {  	s7 =	sadd.s32 $0x40, s7;
	v12 =	vmul.f32 v6, v1;
	v6 =	vld [tilespmem:s8+$0x280];
	v13 =	vmul.f32 v7, v0;
	v14 =	vadd.f32 v9, v8  }
0x5a: {  	v7 =	vld [tilespmem:s8+$0x380]  }
0x5b: {  	v8 =	vadd.f32 v11, v10;
	v9 =	vadd.f32 v13, v12;
	[tilespmem:s5+$0x480] =	vst v14;
	s5 =	smov.u32 s6;
	s6 =	smov.u32 s8  }
0x5c: {  	_ =	sdelay $0x1  }
0x5d: {  	v3 =	vmul.f32 v3, v1;
	v5 =	vmul.f32 v5, v0  }
0x5e: {  	v60 =	vmul.f32 v6, v1;
	v61 =	vmul.f32 v7, v0;
	_ =	sdelay $0x1  }
0x5f: {  	v3 =	vadd.f32 v5, v3;
	v0 =	vadd.f32 v61, v60  }
0x60: {  	v62 =	vmul.f32 v8, v4;
	v63 =	vmul.f32 v9, v2  }
.Ltmp2:
0x61: {  	v3 =	vmul.f32 v3, v4;
	v0 =	vmul.f32 v0, v2;
	(pc) =	sbr.rel @!p0 .LBB2_4-.Ltmp2, $4  }
0x62: {  	v1 =	vadd.f32 v63, v62  }
0x63: {  	v0 =	vadd.f32 v0, v3  }
0x64: {  	[tilespmem:s5+$0x480] =	vst v1  }
0x65: {  	[tilespmem:s6+$0x480] =	vst v0  }
.Ltmp3:
0x66: {  	(pc) =	sbr.rel @p4 .LBB2_7-.Ltmp3, $1  }
0x67: {  	_ =	sdelay $0x3  }
.LBB2_5:
.Ltmp4:
0x68: {  	(pc) =	sbr.rel @!p3 .LBB2_9-.Ltmp4, $1  }
0x69: {  	_ =	sdelay $0x3  }
.LBB2_8:
0x6a: {  	s3 =	simm.s32 $0x0;
	s4 =	simm.s32 $0x480;
	s31 =	simm.s32 $0x5  }
0x6b: {  	[hbm4b:s2+s3] =	stream.linear.scatter [tilespmem:s4], [sflag:$0x5], $0x100, $0x38;
	[tilespmem:$0x580] =	vst v63  }
0x6c: {  	_ =	swait.ge [sflag:s31], $0x100  }
0x6d: {  	[sflag:s31] =	ssyncset.done $0x0  }
0x6e: {  	[sflag:s31] =	ssyncadd.s32 $0xFFFFFF00  }
.LBB2_9:
0x6f: {  	_ =	sfence.sel $0x180000  }
0x70: {  	[bflag:$0x0] =	sbarrier.arrive $0xFFFF  }
0x71: {  	p0 =	sne.s32 s1, $0x0;
	_ =	strace $0x90000047  }
0x72: {  	s0 =	sadd.s32 @!p0 $0x100000, s0;
	[bflag:$0x2] =	sbarrier.arrive $0xFFFF  }
0x73: {  	[sflag:s0] =	ssyncadd.tile.s32 @!p0 $0x1;
	_ =	shalt  }
.LBB2_4:
0x74: {  	s5 =	simm.s32 $0x0  }
.Ltmp5:
0x75: {  	s6 =	simm.s32 $0x480;
	s31 =	simm.s32 $0x5;
	(pc) =	sbr.rel @!p4 .LBB2_5-.Ltmp5, $4  }
0x76: {  	[hbm4b:s4+s5] =	stream.linear.scatter [tilespmem:s6], [sflag:$0x5], $0x100, $0x38;
	[tilespmem:$0x580] =	vst v63  }
0x77: {  	_ =	swait.ge [sflag:s31], $0x100  }
0x78: {  	[sflag:s31] =	ssyncset.done $0x0  }
0x79: {  	[sflag:s31] =	ssyncadd.s32 $0xFFFFFF00  }
.LBB2_7:
0x7a: {  	s4 =	simm.s32 $0x0;
	s5 =	simm.s32 $0x480  }
0x7b: {  	[hbm4b:s3+s4] =	stream.linear.scatter [tilespmem:s5], [sflag:$0x5], $0x100, $0x38;
	[tilespmem:$0x580] =	vst v63  }
.Ltmp6:
0x7c: {  	_ = 	snop;
	(pc) =	sbr.rel @!p3 .LBB2_9-.Ltmp6, $4  }
.Ltmp7:
0x7d: {  	s31 =	simm.s32 $0x5;
	(pc) =	sbr.rel @p3 .LBB2_8-.Ltmp7, $4  }
0x7e: {  	_ =	swait.ge [sflag:s31], $0x100  }
0x7f: {  	[sflag:s31] =	ssyncset.done $0x0  }
0x80: {  	[sflag:s31] =	ssyncadd.s32 $0xFFFFFF00  }
0x81: {  	_ = 	snop  }
.Lfunc_end2:
_tile_overlayer_lowered:
.L_overlay_start_2:
0x82: {  	(tag) =	ssettag $0x2  }
0x83: {  	s0 =	rddreg [dreg:$0x0];
	s2 =	stileid.u32  }
0x84: {  	s1 =	rddreg [dreg:$0x1];
	p0 =	sne.s32 s2, $0x0  }
0x85: {  	s3 =	rddreg [dreg:$0x2];
	[bflag:$0x3] =	sbarrier.arrive $0xFFFF;
	s2 =	simm.s32 @!p0 $0x1C05  }
0x86: {  	[timem:s3], [sflag:s2] =	dma.local @!p0 [hbm:s0], s1  }
0x87: {  	s0 =	simm.s32 @!p0 $0x5  }
0x88: {  	_ =	swait.ge @!p0 [sflag:s0], s1  }
0x89: {  	s1 =	ssub.s32 @!p0 $0x0, s1;
	[sflag:s0] =	ssyncset.done @!p0 $0x0  }
0x8a: {  	[sflag:s0] =	ssyncadd.s32 @!p0 s1  }
0x8b: {  	[bflag:$0x3] =	sbarrier.arrive $0xFFFF  }
0x8c: {  	_ =	shalt  }

</sc_bundles>
